<compile_context>
chip_gen: v7x
topology: tpu7x:2x2x1
jax: 0.10.2.dev20260603
libtpu: 0.0.44.dev20260713+nightly
codegen_flags: <defaults>
</compile_context>

<pallas_src>
import dataclasses

import jax
import jax.numpy as jnp
from jax import lax
from jax.experimental import pallas as pl
from jax.experimental.pallas import tpu as pltpu
from jax.experimental.pallas import tpu_sc as plsc

N = 10000
E = 320000
D = 128
LAM = 0.5

NC = 2
NS = 16
NW = NC * NS
CHUNK = 80
EDGES_PER_TILE = E // NW
CHUNKS_PER_TILE = EDGES_PER_TILE // CHUNK
CHG = 5
NITER = CHUNKS_PER_TILE // CHG
NPAD = N
ZSTEP = 624
ZSPAN = 640

ROW_BLOCK = 1000


def _mlp_body(h_ref, w_ref, b_ref, z_ref):
    z = lax.dot_general(
        h_ref[...], w_ref[...], (((1,), (0,)), ((), ())),
        preferred_element_type=jnp.float32,
        precision=lax.Precision.HIGHEST,
    )
    z = jnp.maximum(z + b_ref[...], 0.0)
    nrm = jnp.sqrt(jnp.sum(z * z, axis=1, keepdims=True))
    z_ref[...] = z / jnp.maximum(nrm, 1e-12)


def _mlp(h, W, b2d):
    return pl.pallas_call(
        _mlp_body,
        grid=(N // ROW_BLOCK,),
        in_specs=[
            pl.BlockSpec((ROW_BLOCK, D), lambda i: (i, 0)),
            pl.BlockSpec((D, D), lambda i: (0, 0)),
            pl.BlockSpec((1, D), lambda i: (0, 0)),
        ],
        out_specs=pl.BlockSpec((ROW_BLOCK, D), lambda i: (i, 0)),
        out_shape=jax.ShapeDtypeStruct((N, D), jnp.float32),
    )(h, W, b2d)


def _make_hop(with_deg):
    mesh = plsc.VectorSubcoreMesh(core_axis_name="c", subcore_axis_name="s")

    out_type = [jax.ShapeDtypeStruct((NC, N, D), jnp.float32)]
    scratch = [
        pltpu.VMEM((2, CHUNK), jnp.int32),
        pltpu.VMEM((2, CHUNK), jnp.int32),
        pltpu.VMEM((2, CHUNK), jnp.int32),
        pltpu.VMEM((2, CHUNK), jnp.int32),
        pltpu.VMEM((2, CHUNK), jnp.int32),
        pltpu.VMEM((CHUNK, D), jnp.float32),
        pltpu.VMEM((CHUNK, D), jnp.float32),
        pltpu.VMEM((CHUNK, D), jnp.float32),
        pltpu.VMEM_SHARED((NPAD, D), jnp.float32),
    ]
    if with_deg:
        out_type.append(jax.ShapeDtypeStruct((NW, 8, NPAD), jnp.float32))
        scratch.append(pltpu.VMEM((NPAD,), jnp.float32))
    scratch += [pltpu.SemaphoreType.DMA] * 11

    def inner(table, sd3, zrows, out, degout, refs):
        (s0, s1, s2, s3, s4, r0, r1, r2, acc, degt,
         si0, si1, si2, si3, si4, sg0, sg1, sg2, ss0, ss1, ss2) = refs
        slots = [s0, s1, s2, s3, s4]
        sem_i = [si0, si1, si2, si3, si4]
        rows = [r0, r1, r2]
        sg = [sg0, sg1, sg2]
        ss = [ss0, ss1, ss2]

        c = lax.axis_index("c")
        s = lax.axis_index("s")
        w = c * NS + s
        row0 = pl.multiple_of(s * ZSTEP, 8)
        cbase = w * CHUNKS_PER_TILE
        pltpu.sync_copy(zrows, acc.at[pl.ds(row0, ZSPAN)])
        if with_deg:
            @pl.loop(0, NPAD // 16)
            def _(i):
                degt[pl.ds(pl.multiple_of(i * 16, 16), 16)] = jnp.zeros(
                    (16,), jnp.float32)
        plsc.subcore_barrier()

        def deg_update(slot):
            if with_deg:
                for t in range(CHUNK // 16):
                    iv = slot[1, pl.ds(t * 16, 16)]
                    plsc.addupdate_scatter(degt, [iv],
                                           jnp.ones((16,), jnp.float32))

        @pl.loop(0, NITER)
        def _(it):
            base = cbase + it * CHG
            hi = [pltpu.async_copy(sd3.at[base + j], slots[j], sem_i[j])
                  for j in range(CHG)]
            gs = [None] * CHG
            sc = [None] * CHG
            for j in range(3):
                hi[j].wait()
                gs[j] = pltpu.async_copy(table.at[slots[j].at[0]],
                                         rows[j], sg[j])
            for j in range(CHG):
                gs[j].wait()
                sc[j] = pltpu.async_copy(rows[j % 3], acc.at[slots[j].at[1]],
                                         ss[j % 3], add=True)
                deg_update(slots[j])
                if j + 3 < CHG:
                    sc[j].wait()
                    hi[j + 3].wait()
                    gs[j + 3] = pltpu.async_copy(
                        table.at[slots[j + 3].at[0]], rows[j % 3], sg[j % 3])
            for j in range(CHG - 3, CHG):
                sc[j].wait()

        plsc.subcore_barrier()
        pltpu.sync_copy(acc.at[pl.ds(row0, ZSPAN)],
                        out.at[c, pl.ds(row0, ZSPAN)])
        if with_deg:
            pltpu.sync_copy(degt, degout.at[w, 0])

    if with_deg:
        def body(table, sd3, zrows, out, degout, *refs):
            inner(table, sd3, zrows, out, degout, refs)
    else:
        def body(table, sd3, zrows, out, *refs):
            refs = refs[:9] + (None,) + refs[9:]
            inner(table, sd3, zrows, out, None, refs)

    cp = pltpu.CompilerParams()
    if "needs_layout_passes" in pltpu.CompilerParams.__dataclass_fields__:
        cp = dataclasses.replace(cp, needs_layout_passes=False)
    return pl.kernel(body, out_type=out_type, mesh=mesh,
                     scratch_types=scratch, compiler_params=cp)


_hop_deg = _make_hop(True)
_hop = _make_hop(False)


def _c1_body(p_ref, pd_ref, out_ref):
    s = p_ref[0] + p_ref[1]
    deg = jnp.sum(pd_ref[:, 0, :], axis=0)[:N]
    out_ref[...] = s / jnp.maximum(deg, 1.0)[:, None]


def _combine1(p, pdeg):
    return pl.pallas_call(
        _c1_body,
        grid=(1,),
        in_specs=[
            pl.BlockSpec((NC, N, D), lambda i: (0, 0, 0)),
            pl.BlockSpec((NW, 8, NPAD), lambda i: (0, 0, 0)),
        ],
        out_specs=pl.BlockSpec((N, D), lambda i: (0, 0)),
        out_shape=jax.ShapeDtypeStruct((N, D), jnp.float32),
    )(p, pdeg)


def _c2_body(n1_ref, p_ref, pd_ref, out_ref):
    s = p_ref[0] + p_ref[1]
    deg = jnp.sum(pd_ref[:, 0, :], axis=0)[:N]
    neigh2 = s / jnp.maximum(deg, 1.0)[:, None]
    out_ref[...] = LAM * n1_ref[...] + (1.0 - LAM) * neigh2


def _combine2(n1, p, pdeg):
    return pl.pallas_call(
        _c2_body,
        grid=(1,),
        in_specs=[
            pl.BlockSpec((N, D), lambda i: (0, 0)),
            pl.BlockSpec((NC, N, D), lambda i: (0, 0, 0)),
            pl.BlockSpec((NW, 8, NPAD), lambda i: (0, 0, 0)),
        ],
        out_specs=pl.BlockSpec((N, D), lambda i: (0, 0)),
        out_shape=jax.ShapeDtypeStruct((N, D), jnp.float32),
    )(n1, p, pdeg)


def kernel(h, edge_index, W, b):
    z = _mlp(h, W, b.reshape(1, D))
    sd3 = jnp.stack([edge_index[0].reshape(E // CHUNK, CHUNK),
                     edge_index[1].reshape(E // CHUNK, CHUNK)], axis=1)
    zrows = jnp.zeros((ZSPAN, D), jnp.float32)
    p1, pdeg = _hop_deg(z, sd3, zrows)
    neigh1 = _combine1(p1, pdeg)
    (p2,) = _hop(neigh1, sd3, zrows)
    result = _combine2(neigh1, p2, pdeg)
    return (z, result)

# --- scband reference (transcript-rebuilt; emitter-appended) ---
"""Pipeline reference for scband-encoder-local-47004122087894 (READ-ONLY COPY).

The authoritative reference and input builder live on the scoring server;
editing this copy changes nothing except your own understanding.
"""

import jax, jax.numpy as jnp
import numpy as np

N = 10000
E = 320000
D_IN = 128
D_OUT = 128
L = 0.5


def setup_inputs(seed: int = 0) -> dict:
    key = jax.random.key(seed)
    k1, k2, k3 = jax.random.split(key, 3)
    h = jax.random.normal(k1, (N, D_IN), dtype=jnp.float32)
    edge_index = jax.random.randint(k2, (2, E), 0, N, dtype=jnp.int32)
    # nn.Linear(in_dim, out_dim) parameters
    W = jax.random.normal(k3, (D_IN, D_OUT), dtype=jnp.float32) * (1.0 / np.sqrt(D_IN))
    b = jnp.zeros((D_OUT,), dtype=jnp.float32)
    return {"h": h, "edge_index": edge_index, "W": W, "b": b}


def reference(h, edge_index, W, b):
    # MLP: Linear -> ReLU -> L2 normalize along dim=1
    z = h @ W + b
    z = jax.nn.relu(z)
    norm = jnp.linalg.norm(z, axis=1, keepdims=True)
    z = z / jnp.maximum(norm, 1e-12)

    src = edge_index[0]
    dst = edge_index[1]
    ones = jnp.ones((E,), dtype=jnp.float32)
    deg = jax.ops.segment_sum(ones, dst, num_segments=N)
    denom = jnp.maximum(deg, 1.0)[:, None]  # DGL mean over zero in-degree yields 0

    # hop 1: neigh1[v] = mean_{(u->v)} z[u]
    neigh1 = jax.ops.segment_sum(z[src], dst, num_segments=N) / denom
    # hop 2: neigh2[v] = mean_{(u->v)} neigh1[u]
    neigh2 = jax.ops.segment_sum(neigh1[src], dst, num_segments=N) / denom

    result = L * neigh1 + (1.0 - L) * neigh2
    return (z, result)

if __name__ == "__main__":
    import jax
    _d = setup_inputs()
    print(jax.jit(kernel)(*tuple(_d.values())))

</pallas_src>

<mosaic_0001>
#map = affine_map<(d0, d1) -> (0, 0)>
#map1 = affine_map<(d0, d1) -> (0, 0, 0)>
module attributes {stable_mosaic.version = 14 : i64} {
  func.func @body(%arg0: i32, %arg1: i32, %arg2: memref<10000x128xf32, #tpu.memory_space<hbm>>, %arg3: memref<4000x2x80xi32, #tpu.memory_space<hbm>>, %arg4: memref<640x128xf32, #tpu.memory_space<hbm>>, %arg5: memref<2x10000x128xf32, #tpu.memory_space<hbm>>, %arg6: memref<32x8x10000xf32, #tpu.memory_space<hbm>>, %arg7: memref<2x80xi32, #tpu.memory_space<vmem>>, %arg8: memref<2x80xi32, #tpu.memory_space<vmem>>, %arg9: memref<2x80xi32, #tpu.memory_space<vmem>>, %arg10: memref<2x80xi32, #tpu.memory_space<vmem>>, %arg11: memref<2x80xi32, #tpu.memory_space<vmem>>, %arg12: memref<80x128xf32, #tpu.memory_space<vmem>>, %arg13: memref<80x128xf32, #tpu.memory_space<vmem>>, %arg14: memref<80x128xf32, #tpu.memory_space<vmem>>, %arg15: memref<10000x128xf32, #tpu.memory_space<vmem_shared>>, %arg16: memref<10000xf32, #tpu.memory_space<vmem>>, %arg17: memref<!tpu.dma_semaphore, #tpu.memory_space<semaphore_mem>>, %arg18: memref<!tpu.dma_semaphore, #tpu.memory_space<semaphore_mem>>, %arg19: memref<!tpu.dma_semaphore, #tpu.memory_space<semaphore_mem>>, %arg20: memref<!tpu.dma_semaphore, #tpu.memory_space<semaphore_mem>>, %arg21: memref<!tpu.dma_semaphore, #tpu.memory_space<semaphore_mem>>, %arg22: memref<!tpu.dma_semaphore, #tpu.memory_space<semaphore_mem>>, %arg23: memref<!tpu.dma_semaphore, #tpu.memory_space<semaphore_mem>>, %arg24: memref<!tpu.dma_semaphore, #tpu.memory_space<semaphore_mem>>, %arg25: memref<!tpu.dma_semaphore, #tpu.memory_space<semaphore_mem>>, %arg26: memref<!tpu.dma_semaphore, #tpu.memory_space<semaphore_mem>>, %arg27: memref<!tpu.dma_semaphore, #tpu.memory_space<semaphore_mem>>) attributes {dimension_semantics = [#tpu.dimension_semantics<core_parallel>, #tpu.dimension_semantics<subcore_parallel>], iteration_bounds = array<i64: 2, 16>, scalar_prefetch = 0 : i64, scratch_operands = 21 : i64, tpu.core_type = #tpu.core_type<sc_vector_subcore>, window_params = [{transform_indices = #map}, {transform_indices = #map1}, {transform_indices = #map}, {transform_indices = #map1}, {transform_indices = #map1}]} {
    %mul3A = arith.constant 16 : i32
    %mul3A_0 = arith.muli %arg0, %mul3A : i32
    %add3A = arith.addi %mul3A_0, %arg1 : i32
    %mul3A_1 = arith.constant 624 : i32
    %mul3A_2 = arith.muli %arg1, %mul3A_1 : i32
    %multiple_of3A = tpu.assume_multiple %mul3A_2, 8 : i32
    %mul3A_3 = arith.constant 125 : i32
    %mul3A_4 = arith.muli %add3A, %mul3A_3 : i32
    "tpu.region"() ({
      %run_scoped3A_15 = tpu.sem_alloc : memref<!tpu.dma_semaphore, #tpu.memory_space<semaphore_mem>>
      %dma_start3A = arith.constant 0 : i32
      %dma_start3A_16 = tpu.memref_slice %arg15[%multiple_of3A, %dma_start3A] : memref<10000x128xf32, #tpu.memory_space<vmem_shared>> -> memref<640x128xf32, #tpu.memory_space<vmem_shared>>
      tpu.enqueue_dma source(%arg4 : memref<640x128xf32, #tpu.memory_space<hbm>>) target(%dma_start3A_16 : memref<640x128xf32, #tpu.memory_space<vmem_shared>>) target_semaphore(%run_scoped3A_15 : memref<!tpu.dma_semaphore, #tpu.memory_space<semaphore_mem>>)
      %dma_wait3A = arith.constant 0 : i32
      %dma_wait3A_17 = tpu.memref_slice %arg15[%multiple_of3A, %dma_wait3A] : memref<10000x128xf32, #tpu.memory_space<vmem_shared>> -> memref<640x128xf32, #tpu.memory_space<vmem_shared>>
      tpu.wait_dma2 semaphore(%run_scoped3A_15 : memref<!tpu.dma_semaphore, #tpu.memory_space<semaphore_mem>>) src(%arg4 : memref<640x128xf32, #tpu.memory_space<hbm>>) dst(%dma_wait3A_17 : memref<640x128xf32, #tpu.memory_space<vmem_shared>>)
      tpu.yield
    }) : () -> ()
    %scan3A = arith.constant 0 : i32
    %scan3A_5 = arith.constant 625 : i32
    %scan3A_6 = arith.addi %scan3A, %scan3A_5 : i32
    %scan3A_7 = arith.constant 1 : i32
    scf.for %scan3A_15 = %scan3A to %scan3A_6 step %scan3A_7  : i32 {
      %mul3A_16 = arith.constant 1 : i32
      %mul3A_17 = arith.muli %scan3A_15, %mul3A_16 : i32
      %add3A_18 = arith.constant 0 : i32
      %add3A_19 = arith.addi %add3A_18, %mul3A_17 : i32
      %broadcast_in_dim3A = arith.constant 0.000000e+00 : f32
      %broadcast_in_dim3A_20 = vector.broadcast %broadcast_in_dim3A : f32 to vector<16xf32>
      %mul3A_21 = arith.constant 16 : i32
      %mul3A_22 = arith.muli %add3A_19, %mul3A_21 : i32
      %multiple_of3A_23 = tpu.assume_multiple %mul3A_22, 16 : i32
      %swap3A = arith.index_cast %multiple_of3A_23 : i32 to index
      %swap3A_24 = tpu.vector_load %arg16[%swap3A] {strides = array<i32>} : memref<10000xf32, #tpu.memory_space<vmem>>, vector<16xf32>,
      tpu.vector_store %arg16[%swap3A], %broadcast_in_dim3A_20 {strides = array<i32>} : memref<10000xf32, #tpu.memory_space<vmem>>, vector<16xf32>,
    }
    %scan3A_8 = arith.constant 625 : i32
    %barrier3A = arith.constant 0 : index
    tpu.barrier barrier_id(%barrier3A)
    %scan3A_9 = arith.constant 0 : i32
    %scan3A_10 = arith.constant 25 : i32
    %scan3A_11 = arith.addi %scan3A_9, %scan3A_10 : i32
    %scan3A_12 = arith.constant 1 : i32
    scf.for %scan3A_15 = %scan3A_9 to %scan3A_11 step %scan3A_12  : i32 {
      %mul3A_16 = arith.constant 1 : i32
      %mul3A_17 = arith.muli %scan3A_15, %mul3A_16 : i32
      %add3A_18 = arith.constant 0 : i32
      %add3A_19 = arith.addi %add3A_18, %mul3A_17 : i32
      %mul3A_20 = arith.constant 5 : i32
      %mul3A_21 = arith.muli %add3A_19, %mul3A_20 : i32
      %add3A_22 = arith.addi %mul3A_4, %mul3A_21 : i32
      %add3A_23 = arith.constant 0 : i32
      %add3A_24 = arith.addi %add3A_22, %add3A_23 : i32
      %dma_start3A = arith.constant 0 : i32
      %dma_start3A_25 = arith.constant 0 : i32
      %dma_start3A_26 = tpu.memref_slice %arg3[%add3A_24, %dma_start3A, %dma_start3A_25] : memref<4000x2x80xi32, #tpu.memory_space<hbm>> -> memref<1x2x80xi32, #tpu.memory_space<hbm>>
      %dma_start3A_27 = tpu.memref_squeeze %dma_start3A_26 : memref<1x2x80xi32, #tpu.memory_space<hbm>> -> memref<2x80xi32, #tpu.memory_space<hbm>>
      %dma_start3A_28 = arith.constant 0 : i32
      %dma_start3A_29 = arith.constant 0 : i32
      %dma_start3A_30 = tpu.memref_slice %arg3[%add3A_24, %dma_start3A_28, %dma_start3A_29] : memref<4000x2x80xi32, #tpu.memory_space<hbm>> -> memref<1x2x80xi32, #tpu.memory_space<hbm>>
      %dma_start3A_31 = tpu.memref_squeeze %dma_start3A_30 : memref<1x2x80xi32, #tpu.memory_space<hbm>> -> memref<2x80xi32, #tpu.memory_space<hbm>>
      tpu.enqueue_dma source(%dma_start3A_31 : memref<2x80xi32, #tpu.memory_space<hbm>>) target(%arg7 : memref<2x80xi32, #tpu.memory_space<vmem>>) target_semaphore(%arg17 : memref<!tpu.dma_semaphore, #tpu.memory_space<semaphore_mem>>)
      %add3A_32 = arith.constant 1 : i32
      %add3A_33 = arith.addi %add3A_22, %add3A_32 : i32
      %dma_start3A_34 = arith.constant 0 : i32
      %dma_start3A_35 = arith.constant 0 : i32
      %dma_start3A_36 = tpu.memref_slice %arg3[%add3A_33, %dma_start3A_34, %dma_start3A_35] : memref<4000x2x80xi32, #tpu.memory_space<hbm>> -> memref<1x2x80xi32, #tpu.memory_space<hbm>>
      %dma_start3A_37 = tpu.memref_squeeze %dma_start3A_36 : memref<1x2x80xi32, #tpu.memory_space<hbm>> -> memref<2x80xi32, #tpu.memory_space<hbm>>
      %dma_start3A_38 = arith.constant 0 : i32
      %dma_start3A_39 = arith.constant 0 : i32
      %dma_start3A_40 = tpu.memref_slice %arg3[%add3A_33, %dma_start3A_38, %dma_start3A_39] : memref<4000x2x80xi32, #tpu.memory_space<hbm>> -> memref<1x2x80xi32, #tpu.memory_space<hbm>>
      %dma_start3A_41 = tpu.memref_squeeze %dma_start3A_40 : memref<1x2x80xi32, #tpu.memory_space<hbm>> -> memref<2x80xi32, #tpu.memory_space<hbm>>
      tpu.enqueue_dma source(%dma_start3A_41 : memref<2x80xi32, #tpu.memory_space<hbm>>) target(%arg8 : memref<2x80xi32, #tpu.memory_space<vmem>>) target_semaphore(%arg18 : memref<!tpu.dma_semaphore, #tpu.memory_space<semaphore_mem>>)
      %add3A_42 = arith.constant 2 : i32
      %add3A_43 = arith.addi %add3A_22, %add3A_42 : i32
      %dma_start3A_44 = arith.constant 0 : i32
      %dma_start3A_45 = arith.constant 0 : i32
      %dma_start3A_46 = tpu.memref_slice %arg3[%add3A_43, %dma_start3A_44, %dma_start3A_45] : memref<4000x2x80xi32, #tpu.memory_space<hbm>> -> memref<1x2x80xi32, #tpu.memory_space<hbm>>
      %dma_start3A_47 = tpu.memref_squeeze %dma_start3A_46 : memref<1x2x80xi32, #tpu.memory_space<hbm>> -> memref<2x80xi32, #tpu.memory_space<hbm>>
      %dma_start3A_48 = arith.constant 0 : i32
      %dma_start3A_49 = arith.constant 0 : i32
      %dma_start3A_50 = tpu.memref_slice %arg3[%add3A_43, %dma_start3A_48, %dma_start3A_49] : memref<4000x2x80xi32, #tpu.memory_space<hbm>> -> memref<1x2x80xi32, #tpu.memory_space<hbm>>
      %dma_start3A_51 = tpu.memref_squeeze %dma_start3A_50 : memref<1x2x80xi32, #tpu.memory_space<hbm>> -> memref<2x80xi32, #tpu.memory_space<hbm>>
      tpu.enqueue_dma source(%dma_start3A_51 : memref<2x80xi32, #tpu.memory_space<hbm>>) target(%arg9 : memref<2x80xi32, #tpu.memory_space<vmem>>) target_semaphore(%arg19 : memref<!tpu.dma_semaphore, #tpu.memory_space<semaphore_mem>>)
      %add3A_52 = arith.constant 3 : i32
      %add3A_53 = arith.addi %add3A_22, %add3A_52 : i32
      %dma_start3A_54 = arith.constant 0 : i32
      %dma_start3A_55 = arith.constant 0 : i32
      %dma_start3A_56 = tpu.memref_slice %arg3[%add3A_53, %dma_start3A_54, %dma_start3A_55] : memref<4000x2x80xi32, #tpu.memory_space<hbm>> -> memref<1x2x80xi32, #tpu.memory_space<hbm>>
      %dma_start3A_57 = tpu.memref_squeeze %dma_start3A_56 : memref<1x2x80xi32, #tpu.memory_space<hbm>> -> memref<2x80xi32, #tpu.memory_space<hbm>>
      %dma_start3A_58 = arith.constant 0 : i32
      %dma_start3A_59 = arith.constant 0 : i32
      %dma_start3A_60 = tpu.memref_slice %arg3[%add3A_53, %dma_start3A_58, %dma_start3A_59] : memref<4000x2x80xi32, #tpu.memory_space<hbm>> -> memref<1x2x80xi32, #tpu.memory_space<hbm>>
      %dma_start3A_61 = tpu.memref_squeeze %dma_start3A_60 : memref<1x2x80xi32, #tpu.memory_space<hbm>> -> memref<2x80xi32, #tpu.memory_space<hbm>>
      tpu.enqueue_dma source(%dma_start3A_61 : memref<2x80xi32, #tpu.memory_space<hbm>>) target(%arg10 : memref<2x80xi32, #tpu.memory_space<vmem>>) target_semaphore(%arg20 : memref<!tpu.dma_semaphore, #tpu.memory_space<semaphore_mem>>)
      %add3A_62 = arith.constant 4 : i32
      %add3A_63 = arith.addi %add3A_22, %add3A_62 : i32
      %dma_start3A_64 = arith.constant 0 : i32
      %dma_start3A_65 = arith.constant 0 : i32
      %dma_start3A_66 = tpu.memref_slice %arg3[%add3A_63, %dma_start3A_64, %dma_start3A_65] : memref<4000x2x80xi32, #tpu.memory_space<hbm>> -> memref<1x2x80xi32, #tpu.memory_space<hbm>>
      %dma_start3A_67 = tpu.memref_squeeze %dma_start3A_66 : memref<1x2x80xi32, #tpu.memory_space<hbm>> -> memref<2x80xi32, #tpu.memory_space<hbm>>
      %dma_start3A_68 = arith.constant 0 : i32
      %dma_start3A_69 = arith.constant 0 : i32
      %dma_start3A_70 = tpu.memref_slice %arg3[%add3A_63, %dma_start3A_68, %dma_start3A_69] : memref<4000x2x80xi32, #tpu.memory_space<hbm>> -> memref<1x2x80xi32, #tpu.memory_space<hbm>>
      %dma_start3A_71 = tpu.memref_squeeze %dma_start3A_70 : memref<1x2x80xi32, #tpu.memory_space<hbm>> -> memref<2x80xi32, #tpu.memory_space<hbm>>
      tpu.enqueue_dma source(%dma_start3A_71 : memref<2x80xi32, #tpu.memory_space<hbm>>) target(%arg11 : memref<2x80xi32, #tpu.memory_space<vmem>>) target_semaphore(%arg21 : memref<!tpu.dma_semaphore, #tpu.memory_space<semaphore_mem>>)
      %dma_wait3A = arith.constant 0 : i32
      %dma_wait3A_72 = arith.constant 0 : i32
      %dma_wait3A_73 = tpu.memref_slice %arg3[%add3A_24, %dma_wait3A, %dma_wait3A_72] : memref<4000x2x80xi32, #tpu.memory_space<hbm>> -> memref<1x2x80xi32, #tpu.memory_space<hbm>>
      %dma_wait3A_74 = tpu.memref_squeeze %dma_wait3A_73 : memref<1x2x80xi32, #tpu.memory_space<hbm>> -> memref<2x80xi32, #tpu.memory_space<hbm>>
      %dma_wait3A_75 = arith.constant 0 : i32
      %dma_wait3A_76 = arith.constant 0 : i32
      %dma_wait3A_77 = tpu.memref_slice %arg3[%add3A_24, %dma_wait3A_75, %dma_wait3A_76] : memref<4000x2x80xi32, #tpu.memory_space<hbm>> -> memref<1x2x80xi32, #tpu.memory_space<hbm>>
      %dma_wait3A_78 = tpu.memref_squeeze %dma_wait3A_77 : memref<1x2x80xi32, #tpu.memory_space<hbm>> -> memref<2x80xi32, #tpu.memory_space<hbm>>
      tpu.wait_dma2 semaphore(%arg17 : memref<!tpu.dma_semaphore, #tpu.memory_space<semaphore_mem>>) src(%dma_wait3A_78 : memref<2x80xi32, #tpu.memory_space<hbm>>) dst(%arg7 : memref<2x80xi32, #tpu.memory_space<vmem>>)
      %dma_start3A_79 = arith.constant 0 : i32
      %dma_start3A_80 = arith.constant 0 : i32
      %dma_start3A_81 = tpu.memref_slice %arg7[%dma_start3A_79, %dma_start3A_80] : memref<2x80xi32, #tpu.memory_space<vmem>> -> memref<1x80xi32, #tpu.memory_space<vmem>>
      %dma_start3A_82 = tpu.memref_squeeze %dma_start3A_81 : memref<1x80xi32, #tpu.memory_space<vmem>> -> memref<80xi32, #tpu.memory_space<vmem>>
      %dma_start3A_83 = arith.constant 0 : i32
      %dma_start3A_84 = arith.constant 0 : i32
      %dma_start3A_85 = tpu.memref_slice %arg2[%dma_start3A_83, %dma_start3A_84] : memref<10000x128xf32, #tpu.memory_space<hbm>> -> memref<10000x128xf32, #tpu.memory_space<hbm>>
      tpu.enqueue_indirect_dma source(%dma_start3A_85 : memref<10000x128xf32, #tpu.memory_space<hbm>>) target(%arg12 : memref<80x128xf32, #tpu.memory_space<vmem>>) offsets(%dma_start3A_82 : memref<80xi32, #tpu.memory_space<vmem>>) semaphore(%arg22 : memref<!tpu.dma_semaphore, #tpu.memory_space<semaphore_mem>>)
      %dma_wait3A_86 = arith.constant 0 : i32
      %dma_wait3A_87 = arith.constant 0 : i32
      %dma_wait3A_88 = tpu.memref_slice %arg3[%add3A_33, %dma_wait3A_86, %dma_wait3A_87] : memref<4000x2x80xi32, #tpu.memory_space<hbm>> -> memref<1x2x80xi32, #tpu.memory_space<hbm>>
      %dma_wait3A_89 = tpu.memref_squeeze %dma_wait3A_88 : memref<1x2x80xi32, #tpu.memory_space<hbm>> -> memref<2x80xi32, #tpu.memory_space<hbm>>
      %dma_wait3A_90 = arith.constant 0 : i32
      %dma_wait3A_91 = arith.constant 0 : i32
      %dma_wait3A_92 = tpu.memref_slice %arg3[%add3A_33, %dma_wait3A_90, %dma_wait3A_91] : memref<4000x2x80xi32, #tpu.memory_space<hbm>> -> memref<1x2x80xi32, #tpu.memory_space<hbm>>
      %dma_wait3A_93 = tpu.memref_squeeze %dma_wait3A_92 : memref<1x2x80xi32, #tpu.memory_space<hbm>> -> memref<2x80xi32, #tpu.memory_space<hbm>>
      tpu.wait_dma2 semaphore(%arg18 : memref<!tpu.dma_semaphore, #tpu.memory_space<semaphore_mem>>) src(%dma_wait3A_93 : memref<2x80xi32, #tpu.memory_space<hbm>>) dst(%arg8 : memref<2x80xi32, #tpu.memory_space<vmem>>)
      %dma_start3A_94 = arith.constant 0 : i32
      %dma_start3A_95 = arith.constant 0 : i32
      %dma_start3A_96 = tpu.memref_slice %arg8[%dma_start3A_94, %dma_start3A_95] : memref<2x80xi32, #tpu.memory_space<vmem>> -> memref<1x80xi32, #tpu.memory_space<vmem>>
      %dma_start3A_97 = tpu.memref_squeeze %dma_start3A_96 : memref<1x80xi32, #tpu.memory_space<vmem>> -> memref<80xi32, #tpu.memory_space<vmem>>
      %dma_start3A_98 = arith.constant 0 : i32
      %dma_start3A_99 = arith.constant 0 : i32
      %dma_start3A_100 = tpu.memref_slice %arg2[%dma_start3A_98, %dma_start3A_99] : memref<10000x128xf32, #tpu.memory_space<hbm>> -> memref<10000x128xf32, #tpu.memory_space<hbm>>
      tpu.enqueue_indirect_dma source(%dma_start3A_100 : memref<10000x128xf32, #tpu.memory_space<hbm>>) target(%arg13 : memref<80x128xf32, #tpu.memory_space<vmem>>) offsets(%dma_start3A_97 : memref<80xi32, #tpu.memory_space<vmem>>) semaphore(%arg23 : memref<!tpu.dma_semaphore, #tpu.memory_space<semaphore_mem>>)
      %dma_wait3A_101 = arith.constant 0 : i32
      %dma_wait3A_102 = arith.constant 0 : i32
      %dma_wait3A_103 = tpu.memref_slice %arg3[%add3A_43, %dma_wait3A_101, %dma_wait3A_102] : memref<4000x2x80xi32, #tpu.memory_space<hbm>> -> memref<1x2x80xi32, #tpu.memory_space<hbm>>
      %dma_wait3A_104 = tpu.memref_squeeze %dma_wait3A_103 : memref<1x2x80xi32, #tpu.memory_space<hbm>> -> memref<2x80xi32, #tpu.memory_space<hbm>>
      %dma_wait3A_105 = arith.constant 0 : i32
      %dma_wait3A_106 = arith.constant 0 : i32
      %dma_wait3A_107 = tpu.memref_slice %arg3[%add3A_43, %dma_wait3A_105, %dma_wait3A_106] : memref<4000x2x80xi32, #tpu.memory_space<hbm>> -> memref<1x2x80xi32, #tpu.memory_space<hbm>>
      %dma_wait3A_108 = tpu.memref_squeeze %dma_wait3A_107 : memref<1x2x80xi32, #tpu.memory_space<hbm>> -> memref<2x80xi32, #tpu.memory_space<hbm>>
      tpu.wait_dma2 semaphore(%arg19 : memref<!tpu.dma_semaphore, #tpu.memory_space<semaphore_mem>>) src(%dma_wait3A_108 : memref<2x80xi32, #tpu.memory_space<hbm>>) dst(%arg9 : memref<2x80xi32, #tpu.memory_space<vmem>>)
      %dma_start3A_109 = arith.constant 0 : i32
      %dma_start3A_110 = arith.constant 0 : i32
      %dma_start3A_111 = tpu.memref_slice %arg9[%dma_start3A_109, %dma_start3A_110] : memref<2x80xi32, #tpu.memory_space<vmem>> -> memref<1x80xi32, #tpu.memory_space<vmem>>
      %dma_start3A_112 = tpu.memref_squeeze %dma_start3A_111 : memref<1x80xi32, #tpu.memory_space<vmem>> -> memref<80xi32, #tpu.memory_space<vmem>>
      %dma_start3A_113 = arith.constant 0 : i32
      %dma_start3A_114 = arith.constant 0 : i32
      %dma_start3A_115 = tpu.memref_slice %arg2[%dma_start3A_113, %dma_start3A_114] : memref<10000x128xf32, #tpu.memory_space<hbm>> -> memref<10000x128xf32, #tpu.memory_space<hbm>>
      tpu.enqueue_indirect_dma source(%dma_start3A_115 : memref<10000x128xf32, #tpu.memory_space<hbm>>) target(%arg14 : memref<80x128xf32, #tpu.memory_space<vmem>>) offsets(%dma_start3A_112 : memref<80xi32, #tpu.memory_space<vmem>>) semaphore(%arg24 : memref<!tpu.dma_semaphore, #tpu.memory_space<semaphore_mem>>)
      %dma_wait3A_116 = arith.constant 0 : i32
      %dma_wait3A_117 = arith.constant 0 : i32
      %dma_wait3A_118 = tpu.memref_slice %arg7[%dma_wait3A_116, %dma_wait3A_117] : memref<2x80xi32, #tpu.memory_space<vmem>> -> memref<1x80xi32, #tpu.memory_space<vmem>>
      %dma_wait3A_119 = tpu.memref_squeeze %dma_wait3A_118 : memref<1x80xi32, #tpu.memory_space<vmem>> -> memref<80xi32, #tpu.memory_space<vmem>>
      %dma_wait3A_120 = arith.constant 0 : i32
      %dma_wait3A_121 = arith.constant 0 : i32
      %dma_wait3A_122 = tpu.memref_slice %arg2[%dma_wait3A_120, %dma_wait3A_121] : memref<10000x128xf32, #tpu.memory_space<hbm>> -> memref<10000x128xf32, #tpu.memory_space<hbm>>
      tpu.wait_indirect_dma semaphore(%arg22 : memref<!tpu.dma_semaphore, #tpu.memory_space<semaphore_mem>>) src(%dma_wait3A_122 : memref<10000x128xf32, #tpu.memory_space<hbm>>) dst(%arg12 : memref<80x128xf32, #tpu.memory_space<vmem>>)
      %dma_start3A_123 = arith.constant 1 : i32
      %dma_start3A_124 = arith.constant 0 : i32
      %dma_start3A_125 = tpu.memref_slice %arg7[%dma_start3A_123, %dma_start3A_124] : memref<2x80xi32, #tpu.memory_space<vmem>> -> memref<1x80xi32, #tpu.memory_space<vmem>>
      %dma_start3A_126 = tpu.memref_squeeze %dma_start3A_125 : memref<1x80xi32, #tpu.memory_space<vmem>> -> memref<80xi32, #tpu.memory_space<vmem>>
      %dma_start3A_127 = arith.constant 0 : i32
      %dma_start3A_128 = arith.constant 0 : i32
      %dma_start3A_129 = tpu.memref_slice %arg15[%dma_start3A_127, %dma_start3A_128] : memref<10000x128xf32, #tpu.memory_space<vmem_shared>> -> memref<10000x128xf32, #tpu.memory_space<vmem_shared>>
      tpu.enqueue_indirect_dma source(%arg12 : memref<80x128xf32, #tpu.memory_space<vmem>>) target(%dma_start3A_129 : memref<10000x128xf32, #tpu.memory_space<vmem_shared>>) offsets(%dma_start3A_126 : memref<80xi32, #tpu.memory_space<vmem>>) semaphore(%arg25 : memref<!tpu.dma_semaphore, #tpu.memory_space<semaphore_mem>>) {add = true}
      %get3A = arith.constant 1 : i32
      %get3A_130 = arith.index_cast %get3A : i32 to index
      %get3A_131 = arith.constant 0 : index
      %get3A_132 = tpu.vector_load %arg7[%get3A_130, %get3A_131] {strides = array<i32>} : memref<2x80xi32, #tpu.memory_space<vmem>>, vector<16xi32>,
      %broadcast_in_dim3A = arith.constant 1.000000e+00 : f32
      %broadcast_in_dim3A_133 = vector.broadcast %broadcast_in_dim3A : f32 to vector<16xf32>
      tpu.vector_store_idx %arg16[%get3A_132], %broadcast_in_dim3A_133 {add = true} : memref<10000xf32, #tpu.memory_space<vmem>>[vector<16xi32>], vector<16xf32>,
      %get3A_134 = arith.constant 1 : i32
      %get3A_135 = arith.index_cast %get3A_134 : i32 to index
      %get3A_136 = arith.constant 16 : index
      %get3A_137 = tpu.vector_load %arg7[%get3A_135, %get3A_136] {strides = array<i32>} : memref<2x80xi32, #tpu.memory_space<vmem>>, vector<16xi32>,
      %broadcast_in_dim3A_138 = arith.constant 1.000000e+00 : f32
      %broadcast_in_dim3A_139 = vector.broadcast %broadcast_in_dim3A_138 : f32 to vector<16xf32>
      tpu.vector_store_idx %arg16[%get3A_137], %broadcast_in_dim3A_139 {add = true} : memref<10000xf32, #tpu.memory_space<vmem>>[vector<16xi32>], vector<16xf32>,
      %get3A_140 = arith.constant 1 : i32
      %get3A_141 = arith.index_cast %get3A_140 : i32 to index
      %get3A_142 = arith.constant 32 : index
      %get3A_143 = tpu.vector_load %arg7[%get3A_141, %get3A_142] {strides = array<i32>} : memref<2x80xi32, #tpu.memory_space<vmem>>, vector<16xi32>,
      %broadcast_in_dim3A_144 = arith.constant 1.000000e+00 : f32
      %broadcast_in_dim3A_145 = vector.broadcast %broadcast_in_dim3A_144 : f32 to vector<16xf32>
      tpu.vector_store_idx %arg16[%get3A_143], %broadcast_in_dim3A_145 {add = true} : memref<10000xf32, #tpu.memory_space<vmem>>[vector<16xi32>], vector<16xf32>,
      %get3A_146 = arith.constant 1 : i32
      %get3A_147 = arith.index_cast %get3A_146 : i32 to index
      %get3A_148 = arith.constant 48 : index
      %get3A_149 = tpu.vector_load %arg7[%get3A_147, %get3A_148] {strides = array<i32>} : memref<2x80xi32, #tpu.memory_space<vmem>>, vector<16xi32>,
      %broadcast_in_dim3A_150 = arith.constant 1.000000e+00 : f32
      %broadcast_in_dim3A_151 = vector.broadcast %broadcast_in_dim3A_150 : f32 to vector<16xf32>
      tpu.vector_store_idx %arg16[%get3A_149], %broadcast_in_dim3A_151 {add = true} : memref<10000xf32, #tpu.memory_space<vmem>>[vector<16xi32>], vector<16xf32>,
      %get3A_152 = arith.constant 1 : i32
      %get3A_153 = arith.index_cast %get3A_152 : i32 to index
      %get3A_154 = arith.constant 64 : index
      %get3A_155 = tpu.vector_load %arg7[%get3A_153, %get3A_154] {strides = array<i32>} : memref<2x80xi32, #tpu.memory_space<vmem>>, vector<16xi32>,
      %broadcast_in_dim3A_156 = arith.constant 1.000000e+00 : f32
      %broadcast_in_dim3A_157 = vector.broadcast %broadcast_in_dim3A_156 : f32 to vector<16xf32>
      tpu.vector_store_idx %arg16[%get3A_155], %broadcast_in_dim3A_157 {add = true} : memref<10000xf32, #tpu.memory_space<vmem>>[vector<16xi32>], vector<16xf32>,
      %dma_wait3A_158 = arith.constant 1 : i32
      %dma_wait3A_159 = arith.constant 0 : i32
      %dma_wait3A_160 = tpu.memref_slice %arg7[%dma_wait3A_158, %dma_wait3A_159] : memref<2x80xi32, #tpu.memory_space<vmem>> -> memref<1x80xi32, #tpu.memory_space<vmem>>
      %dma_wait3A_161 = tpu.memref_squeeze %dma_wait3A_160 : memref<1x80xi32, #tpu.memory_space<vmem>> -> memref<80xi32, #tpu.memory_space<vmem>>
      %dma_wait3A_162 = arith.constant 0 : i32
      %dma_wait3A_163 = arith.constant 0 : i32
      %dma_wait3A_164 = tpu.memref_slice %arg15[%dma_wait3A_162, %dma_wait3A_163] : memref<10000x128xf32, #tpu.memory_space<vmem_shared>> -> memref<10000x128xf32, #tpu.memory_space<vmem_shared>>
      tpu.wait_indirect_dma semaphore(%arg25 : memref<!tpu.dma_semaphore, #tpu.memory_space<semaphore_mem>>) src(%arg12 : memref<80x128xf32, #tpu.memory_space<vmem>>) dst(%dma_wait3A_164 : memref<10000x128xf32, #tpu.memory_space<vmem_shared>>)
      %dma_wait3A_165 = arith.constant 0 : i32
      %dma_wait3A_166 = arith.constant 0 : i32
      %dma_wait3A_167 = tpu.memref_slice %arg3[%add3A_53, %dma_wait3A_165, %dma_wait3A_166] : memref<4000x2x80xi32, #tpu.memory_space<hbm>> -> memref<1x2x80xi32, #tpu.memory_space<hbm>>
      %dma_wait3A_168 = tpu.memref_squeeze %dma_wait3A_167 : memref<1x2x80xi32, #tpu.memory_space<hbm>> -> memref<2x80xi32, #tpu.memory_space<hbm>>
      %dma_wait3A_169 = arith.constant 0 : i32
      %dma_wait3A_170 = arith.constant 0 : i32
      %dma_wait3A_171 = tpu.memref_slice %arg3[%add3A_53, %dma_wait3A_169, %dma_wait3A_170] : memref<4000x2x80xi32, #tpu.memory_space<hbm>> -> memref<1x2x80xi32, #tpu.memory_space<hbm>>
      %dma_wait3A_172 = tpu.memref_squeeze %dma_wait3A_171 : memref<1x2x80xi32, #tpu.memory_space<hbm>> -> memref<2x80xi32, #tpu.memory_space<hbm>>
      tpu.wait_dma2 semaphore(%arg20 : memref<!tpu.dma_semaphore, #tpu.memory_space<semaphore_mem>>) src(%dma_wait3A_172 : memref<2x80xi32, #tpu.memory_space<hbm>>) dst(%arg10 : memref<2x80xi32, #tpu.memory_space<vmem>>)
      %dma_start3A_173 = arith.constant 0 : i32
      %dma_start3A_174 = arith.constant 0 : i32
      %dma_start3A_175 = tpu.memref_slice %arg10[%dma_start3A_173, %dma_start3A_174] : memref<2x80xi32, #tpu.memory_space<vmem>> -> memref<1x80xi32, #tpu.memory_space<vmem>>
      %dma_start3A_176 = tpu.memref_squeeze %dma_start3A_175 : memref<1x80xi32, #tpu.memory_space<vmem>> -> memref<80xi32, #tpu.memory_space<vmem>>
      %dma_start3A_177 = arith.constant 0 : i32
      %dma_start3A_178 = arith.constant 0 : i32
      %dma_start3A_179 = tpu.memref_slice %arg2[%dma_start3A_177, %dma_start3A_178] : memref<10000x128xf32, #tpu.memory_space<hbm>> -> memref<10000x128xf32, #tpu.memory_space<hbm>>
      tpu.enqueue_indirect_dma source(%dma_start3A_179 : memref<10000x128xf32, #tpu.memory_space<hbm>>) target(%arg12 : memref<80x128xf32, #tpu.memory_space<vmem>>) offsets(%dma_start3A_176 : memref<80xi32, #tpu.memory_space<vmem>>) semaphore(%arg22 : memref<!tpu.dma_semaphore, #tpu.memory_space<semaphore_mem>>)
      %dma_wait3A_180 = arith.constant 0 : i32
      %dma_wait3A_181 = arith.constant 0 : i32
      %dma_wait3A_182 = tpu.memref_slice %arg8[%dma_wait3A_180, %dma_wait3A_181] : memref<2x80xi32, #tpu.memory_space<vmem>> -> memref<1x80xi32, #tpu.memory_space<vmem>>
      %dma_wait3A_183 = tpu.memref_squeeze %dma_wait3A_182 : memref<1x80xi32, #tpu.memory_space<vmem>> -> memref<80xi32, #tpu.memory_space<vmem>>
      %dma_wait3A_184 = arith.constant 0 : i32
      %dma_wait3A_185 = arith.constant 0 : i32
      %dma_wait3A_186 = tpu.memref_slice %arg2[%dma_wait3A_184, %dma_wait3A_185] : memref<10000x128xf32, #tpu.memory_space<hbm>> -> memref<10000x128xf32, #tpu.memory_space<hbm>>
      tpu.wait_indirect_dma semaphore(%arg23 : memref<!tpu.dma_semaphore, #tpu.memory_space<semaphore_mem>>) src(%dma_wait3A_186 : memref<10000x128xf32, #tpu.memory_space<hbm>>) dst(%arg13 : memref<80x128xf32, #tpu.memory_space<vmem>>)
      %dma_start3A_187 = arith.constant 1 : i32
      %dma_start3A_188 = arith.constant 0 : i32
      %dma_start3A_189 = tpu.memref_slice %arg8[%dma_start3A_187, %dma_start3A_188] : memref<2x80xi32, #tpu.memory_space<vmem>> -> memref<1x80xi32, #tpu.memory_space<vmem>>
      %dma_start3A_190 = tpu.memref_squeeze %dma_start3A_189 : memref<1x80xi32, #tpu.memory_space<vmem>> -> memref<80xi32, #tpu.memory_space<vmem>>
      %dma_start3A_191 = arith.constant 0 : i32
      %dma_start3A_192 = arith.constant 0 : i32
      %dma_start3A_193 = tpu.memref_slice %arg15[%dma_start3A_191, %dma_start3A_192] : memref<10000x128xf32, #tpu.memory_space<vmem_shared>> -> memref<10000x128xf32, #tpu.memory_space<vmem_shared>>
      tpu.enqueue_indirect_dma source(%arg13 : memref<80x128xf32, #tpu.memory_space<vmem>>) target(%dma_start3A_193 : memref<10000x128xf32, #tpu.memory_space<vmem_shared>>) offsets(%dma_start3A_190 : memref<80xi32, #tpu.memory_space<vmem>>) semaphore(%arg26 : memref<!tpu.dma_semaphore, #tpu.memory_space<semaphore_mem>>) {add = true}
      %get3A_194 = arith.constant 1 : i32
      %get3A_195 = arith.index_cast %get3A_194 : i32 to index
      %get3A_196 = arith.constant 0 : index
      %get3A_197 = tpu.vector_load %arg8[%get3A_195, %get3A_196] {strides = array<i32>} : memref<2x80xi32, #tpu.memory_space<vmem>>, vector<16xi32>,
      %broadcast_in_dim3A_198 = arith.constant 1.000000e+00 : f32
      %broadcast_in_dim3A_199 = vector.broadcast %broadcast_in_dim3A_198 : f32 to vector<16xf32>
      tpu.vector_store_idx %arg16[%get3A_197], %broadcast_in_dim3A_199 {add = true} : memref<10000xf32, #tpu.memory_space<vmem>>[vector<16xi32>], vector<16xf32>,
      %get3A_200 = arith.constant 1 : i32
      %get3A_201 = arith.index_cast %get3A_200 : i32 to index
      %get3A_202 = arith.constant 16 : index
      %get3A_203 = tpu.vector_load %arg8[%get3A_201, %get3A_202] {strides = array<i32>} : memref<2x80xi32, #tpu.memory_space<vmem>>, vector<16xi32>,
      %broadcast_in_dim3A_204 = arith.constant 1.000000e+00 : f32
      %broadcast_in_dim3A_205 = vector.broadcast %broadcast_in_dim3A_204 : f32 to vector<16xf32>
      tpu.vector_store_idx %arg16[%get3A_203], %broadcast_in_dim3A_205 {add = true} : memref<10000xf32, #tpu.memory_space<vmem>>[vector<16xi32>], vector<16xf32>,
      %get3A_206 = arith.constant 1 : i32
      %get3A_207 = arith.index_cast %get3A_206 : i32 to index
      %get3A_208 = arith.constant 32 : index
      %get3A_209 = tpu.vector_load %arg8[%get3A_207, %get3A_208] {strides = array<i32>} : memref<2x80xi32, #tpu.memory_space<vmem>>, vector<16xi32>,
      %broadcast_in_dim3A_210 = arith.constant 1.000000e+00 : f32
      %broadcast_in_dim3A_211 = vector.broadcast %broadcast_in_dim3A_210 : f32 to vector<16xf32>
      tpu.vector_store_idx %arg16[%get3A_209], %broadcast_in_dim3A_211 {add = true} : memref<10000xf32, #tpu.memory_space<vmem>>[vector<16xi32>], vector<16xf32>,
      %get3A_212 = arith.constant 1 : i32
      %get3A_213 = arith.index_cast %get3A_212 : i32 to index
      %get3A_214 = arith.constant 48 : index
      %get3A_215 = tpu.vector_load %arg8[%get3A_213, %get3A_214] {strides = array<i32>} : memref<2x80xi32, #tpu.memory_space<vmem>>, vector<16xi32>,
      %broadcast_in_dim3A_216 = arith.constant 1.000000e+00 : f32
      %broadcast_in_dim3A_217 = vector.broadcast %broadcast_in_dim3A_216 : f32 to vector<16xf32>
      tpu.vector_store_idx %arg16[%get3A_215], %broadcast_in_dim3A_217 {add = true} : memref<10000xf32, #tpu.memory_space<vmem>>[vector<16xi32>], vector<16xf32>,
      %get3A_218 = arith.constant 1 : i32
      %get3A_219 = arith.index_cast %get3A_218 : i32 to index
      %get3A_220 = arith.constant 64 : index
      %get3A_221 = tpu.vector_load %arg8[%get3A_219, %get3A_220] {strides = array<i32>} : memref<2x80xi32, #tpu.memory_space<vmem>>, vector<16xi32>,
      %broadcast_in_dim3A_222 = arith.constant 1.000000e+00 : f32
      %broadcast_in_dim3A_223 = vector.broadcast %broadcast_in_dim3A_222 : f32 to vector<16xf32>
      tpu.vector_store_idx %arg16[%get3A_221], %broadcast_in_dim3A_223 {add = true} : memref<10000xf32, #tpu.memory_space<vmem>>[vector<16xi32>], vector<16xf32>,
      %dma_wait3A_224 = arith.constant 1 : i32
      %dma_wait3A_225 = arith.constant 0 : i32
      %dma_wait3A_226 = tpu.memref_slice %arg8[%dma_wait3A_224, %dma_wait3A_225] : memref<2x80xi32, #tpu.memory_space<vmem>> -> memref<1x80xi32, #tpu.memory_space<vmem>>
      %dma_wait3A_227 = tpu.memref_squeeze %dma_wait3A_226 : memref<1x80xi32, #tpu.memory_space<vmem>> -> memref<80xi32, #tpu.memory_space<vmem>>
      %dma_wait3A_228 = arith.constant 0 : i32
      %dma_wait3A_229 = arith.constant 0 : i32
      %dma_wait3A_230 = tpu.memref_slice %arg15[%dma_wait3A_228, %dma_wait3A_229] : memref<10000x128xf32, #tpu.memory_space<vmem_shared>> -> memref<10000x128xf32, #tpu.memory_space<vmem_shared>>
      tpu.wait_indirect_dma semaphore(%arg26 : memref<!tpu.dma_semaphore, #tpu.memory_space<semaphore_mem>>) src(%arg13 : memref<80x128xf32, #tpu.memory_space<vmem>>) dst(%dma_wait3A_230 : memref<10000x128xf32, #tpu.memory_space<vmem_shared>>)
      %dma_wait3A_231 = arith.constant 0 : i32
      %dma_wait3A_232 = arith.constant 0 : i32
      %dma_wait3A_233 = tpu.memref_slice %arg3[%add3A_63, %dma_wait3A_231, %dma_wait3A_232] : memref<4000x2x80xi32, #tpu.memory_space<hbm>> -> memref<1x2x80xi32, #tpu.memory_space<hbm>>
      %dma_wait3A_234 = tpu.memref_squeeze %dma_wait3A_233 : memref<1x2x80xi32, #tpu.memory_space<hbm>> -> memref<2x80xi32, #tpu.memory_space<hbm>>
      %dma_wait3A_235 = arith.constant 0 : i32
      %dma_wait3A_236 = arith.constant 0 : i32
      %dma_wait3A_237 = tpu.memref_slice %arg3[%add3A_63, %dma_wait3A_235, %dma_wait3A_236] : memref<4000x2x80xi32, #tpu.memory_space<hbm>> -> memref<1x2x80xi32, #tpu.memory_space<hbm>>
      %dma_wait3A_238 = tpu.memref_squeeze %dma_wait3A_237 : memref<1x2x80xi32, #tpu.memory_space<hbm>> -> memref<2x80xi32, #tpu.memory_space<hbm>>
      tpu.wait_dma2 semaphore(%arg21 : memref<!tpu.dma_semaphore, #tpu.memory_space<semaphore_mem>>) src(%dma_wait3A_238 : memref<2x80xi32, #tpu.memory_space<hbm>>) dst(%arg11 : memref<2x80xi32, #tpu.memory_space<vmem>>)
      %dma_start3A_239 = arith.constant 0 : i32
      %dma_start3A_240 = arith.constant 0 : i32
      %dma_start3A_241 = tpu.memref_slice %arg11[%dma_start3A_239, %dma_start3A_240] : memref<2x80xi32, #tpu.memory_space<vmem>> -> memref<1x80xi32, #tpu.memory_space<vmem>>
      %dma_start3A_242 = tpu.memref_squeeze %dma_start3A_241 : memref<1x80xi32, #tpu.memory_space<vmem>> -> memref<80xi32, #tpu.memory_space<vmem>>
      %dma_start3A_243 = arith.constant 0 : i32
      %dma_start3A_244 = arith.constant 0 : i32
      %dma_start3A_245 = tpu.memref_slice %arg2[%dma_start3A_243, %dma_start3A_244] : memref<10000x128xf32, #tpu.memory_space<hbm>> -> memref<10000x128xf32, #tpu.memory_space<hbm>>
      tpu.enqueue_indirect_dma source(%dma_start3A_245 : memref<10000x128xf32, #tpu.memory_space<hbm>>) target(%arg13 : memref<80x128xf32, #tpu.memory_space<vmem>>) offsets(%dma_start3A_242 : memref<80xi32, #tpu.memory_space<vmem>>) semaphore(%arg23 : memref<!tpu.dma_semaphore, #tpu.memory_space<semaphore_mem>>)
      %dma_wait3A_246 = arith.constant 0 : i32
      %dma_wait3A_247 = arith.constant 0 : i32
      %dma_wait3A_248 = tpu.memref_slice %arg9[%dma_wait3A_246, %dma_wait3A_247] : memref<2x80xi32, #tpu.memory_space<vmem>> -> memref<1x80xi32, #tpu.memory_space<vmem>>
      %dma_wait3A_249 = tpu.memref_squeeze %dma_wait3A_248 : memref<1x80xi32, #tpu.memory_space<vmem>> -> memref<80xi32, #tpu.memory_space<vmem>>
      %dma_wait3A_250 = arith.constant 0 : i32
      %dma_wait3A_251 = arith.constant 0 : i32
      %dma_wait3A_252 = tpu.memref_slice %arg2[%dma_wait3A_250, %dma_wait3A_251] : memref<10000x128xf32, #tpu.memory_space<hbm>> -> memref<10000x128xf32, #tpu.memory_space<hbm>>
      tpu.wait_indirect_dma semaphore(%arg24 : memref<!tpu.dma_semaphore, #tpu.memory_space<semaphore_mem>>) src(%dma_wait3A_252 : memref<10000x128xf32, #tpu.memory_space<hbm>>) dst(%arg14 : memref<80x128xf32, #tpu.memory_space<vmem>>)
      %dma_start3A_253 = arith.constant 1 : i32
      %dma_start3A_254 = arith.constant 0 : i32
      %dma_start3A_255 = tpu.memref_slice %arg9[%dma_start3A_253, %dma_start3A_254] : memref<2x80xi32, #tpu.memory_space<vmem>> -> memref<1x80xi32, #tpu.memory_space<vmem>>
      %dma_start3A_256 = tpu.memref_squeeze %dma_start3A_255 : memref<1x80xi32, #tpu.memory_space<vmem>> -> memref<80xi32, #tpu.memory_space<vmem>>
      %dma_start3A_257 = arith.constant 0 : i32
      %dma_start3A_258 = arith.constant 0 : i32
      %dma_start3A_259 = tpu.memref_slice %arg15[%dma_start3A_257, %dma_start3A_258] : memref<10000x128xf32, #tpu.memory_space<vmem_shared>> -> memref<10000x128xf32, #tpu.memory_space<vmem_shared>>
      tpu.enqueue_indirect_dma source(%arg14 : memref<80x128xf32, #tpu.memory_space<vmem>>) target(%dma_start3A_259 : memref<10000x128xf32, #tpu.memory_space<vmem_shared>>) offsets(%dma_start3A_256 : memref<80xi32, #tpu.memory_space<vmem>>) semaphore(%arg27 : memref<!tpu.dma_semaphore, #tpu.memory_space<semaphore_mem>>) {add = true}
      %get3A_260 = arith.constant 1 : i32
      %get3A_261 = arith.index_cast %get3A_260 : i32 to index
      %get3A_262 = arith.constant 0 : index
      %get3A_263 = tpu.vector_load %arg9[%get3A_261, %get3A_262] {strides = array<i32>} : memref<2x80xi32, #tpu.memory_space<vmem>>, vector<16xi32>,
      %broadcast_in_dim3A_264 = arith.constant 1.000000e+00 : f32
      %broadcast_in_dim3A_265 = vector.broadcast %broadcast_in_dim3A_264 : f32 to vector<16xf32>
      tpu.vector_store_idx %arg16[%get3A_263], %broadcast_in_dim3A_265 {add = true} : memref<10000xf32, #tpu.memory_space<vmem>>[vector<16xi32>], vector<16xf32>,
      %get3A_266 = arith.constant 1 : i32
      %get3A_267 = arith.index_cast %get3A_266 : i32 to index
      %get3A_268 = arith.constant 16 : index
      %get3A_269 = tpu.vector_load %arg9[%get3A_267, %get3A_268] {strides = array<i32>} : memref<2x80xi32, #tpu.memory_space<vmem>>, vector<16xi32>,
      %broadcast_in_dim3A_270 = arith.constant 1.000000e+00 : f32
      %broadcast_in_dim3A_271 = vector.broadcast %broadcast_in_dim3A_270 : f32 to vector<16xf32>
      tpu.vector_store_idx %arg16[%get3A_269], %broadcast_in_dim3A_271 {add = true} : memref<10000xf32, #tpu.memory_space<vmem>>[vector<16xi32>], vector<16xf32>,
      %get3A_272 = arith.constant 1 : i32
      %get3A_273 = arith.index_cast %get3A_272 : i32 to index
      %get3A_274 = arith.constant 32 : index
      %get3A_275 = tpu.vector_load %arg9[%get3A_273, %get3A_274] {strides = array<i32>} : memref<2x80xi32, #tpu.memory_space<vmem>>, vector<16xi32>,
      %broadcast_in_dim3A_276 = arith.constant 1.000000e+00 : f32
      %broadcast_in_dim3A_277 = vector.broadcast %broadcast_in_dim3A_276 : f32 to vector<16xf32>
      tpu.vector_store_idx %arg16[%get3A_275], %broadcast_in_dim3A_277 {add = true} : memref<10000xf32, #tpu.memory_space<vmem>>[vector<16xi32>], vector<16xf32>,
      %get3A_278 = arith.constant 1 : i32
      %get3A_279 = arith.index_cast %get3A_278 : i32 to index
      %get3A_280 = arith.constant 48 : index
      %get3A_281 = tpu.vector_load %arg9[%get3A_279, %get3A_280] {strides = array<i32>} : memref<2x80xi32, #tpu.memory_space<vmem>>, vector<16xi32>,
      %broadcast_in_dim3A_282 = arith.constant 1.000000e+00 : f32
      %broadcast_in_dim3A_283 = vector.broadcast %broadcast_in_dim3A_282 : f32 to vector<16xf32>
      tpu.vector_store_idx %arg16[%get3A_281], %broadcast_in_dim3A_283 {add = true} : memref<10000xf32, #tpu.memory_space<vmem>>[vector<16xi32>], vector<16xf32>,
      %get3A_284 = arith.constant 1 : i32
      %get3A_285 = arith.index_cast %get3A_284 : i32 to index
      %get3A_286 = arith.constant 64 : index
      %get3A_287 = tpu.vector_load %arg9[%get3A_285, %get3A_286] {strides = array<i32>} : memref<2x80xi32, #tpu.memory_space<vmem>>, vector<16xi32>,
      %broadcast_in_dim3A_288 = arith.constant 1.000000e+00 : f32
      %broadcast_in_dim3A_289 = vector.broadcast %broadcast_in_dim3A_288 : f32 to vector<16xf32>
      tpu.vector_store_idx %arg16[%get3A_287], %broadcast_in_dim3A_289 {add = true} : memref<10000xf32, #tpu.memory_space<vmem>>[vector<16xi32>], vector<16xf32>,
      %dma_wait3A_290 = arith.constant 0 : i32
      %dma_wait3A_291 = arith.constant 0 : i32
      %dma_wait3A_292 = tpu.memref_slice %arg10[%dma_wait3A_290, %dma_wait3A_291] : memref<2x80xi32, #tpu.memory_space<vmem>> -> memref<1x80xi32, #tpu.memory_space<vmem>>
      %dma_wait3A_293 = tpu.memref_squeeze %dma_wait3A_292 : memref<1x80xi32, #tpu.memory_space<vmem>> -> memref<80xi32, #tpu.memory_space<vmem>>
      %dma_wait3A_294 = arith.constant 0 : i32
      %dma_wait3A_295 = arith.constant 0 : i32
      %dma_wait3A_296 = tpu.memref_slice %arg2[%dma_wait3A_294, %dma_wait3A_295] : memref<10000x128xf32, #tpu.memory_space<hbm>> -> memref<10000x128xf32, #tpu.memory_space<hbm>>
      tpu.wait_indirect_dma semaphore(%arg22 : memref<!tpu.dma_semaphore, #tpu.memory_space<semaphore_mem>>) src(%dma_wait3A_296 : memref<10000x128xf32, #tpu.memory_space<hbm>>) dst(%arg12 : memref<80x128xf32, #tpu.memory_space<vmem>>)
      %dma_start3A_297 = arith.constant 1 : i32
      %dma_start3A_298 = arith.constant 0 : i32
      %dma_start3A_299 = tpu.memref_slice %arg10[%dma_start3A_297, %dma_start3A_298] : memref<2x80xi32, #tpu.memory_space<vmem>> -> memref<1x80xi32, #tpu.memory_space<vmem>>
      %dma_start3A_300 = tpu.memref_squeeze %dma_start3A_299 : memref<1x80xi32, #tpu.memory_space<vmem>> -> memref<80xi32, #tpu.memory_space<vmem>>
      %dma_start3A_301 = arith.constant 0 : i32
      %dma_start3A_302 = arith.constant 0 : i32
      %dma_start3A_303 = tpu.memref_slice %arg15[%dma_start3A_301, %dma_start3A_302] : memref<10000x128xf32, #tpu.memory_space<vmem_shared>> -> memref<10000x128xf32, #tpu.memory_space<vmem_shared>>
      tpu.enqueue_indirect_dma source(%arg12 : memref<80x128xf32, #tpu.memory_space<vmem>>) target(%dma_start3A_303 : memref<10000x128xf32, #tpu.memory_space<vmem_shared>>) offsets(%dma_start3A_300 : memref<80xi32, #tpu.memory_space<vmem>>) semaphore(%arg25 : memref<!tpu.dma_semaphore, #tpu.memory_space<semaphore_mem>>) {add = true}
      %get3A_304 = arith.constant 1 : i32
      %get3A_305 = arith.index_cast %get3A_304 : i32 to index
      %get3A_306 = arith.constant 0 : index
      %get3A_307 = tpu.vector_load %arg10[%get3A_305, %get3A_306] {strides = array<i32>} : memref<2x80xi32, #tpu.memory_space<vmem>>, vector<16xi32>,
      %broadcast_in_dim3A_308 = arith.constant 1.000000e+00 : f32
      %broadcast_in_dim3A_309 = vector.broadcast %broadcast_in_dim3A_308 : f32 to vector<16xf32>
      tpu.vector_store_idx %arg16[%get3A_307], %broadcast_in_dim3A_309 {add = true} : memref<10000xf32, #tpu.memory_space<vmem>>[vector<16xi32>], vector<16xf32>,
      %get3A_310 = arith.constant 1 : i32
      %get3A_311 = arith.index_cast %get3A_310 : i32 to index
      %get3A_312 = arith.constant 16 : index
      %get3A_313 = tpu.vector_load %arg10[%get3A_311, %get3A_312] {strides = array<i32>} : memref<2x80xi32, #tpu.memory_space<vmem>>, vector<16xi32>,
      %broadcast_in_dim3A_314 = arith.constant 1.000000e+00 : f32
      %broadcast_in_dim3A_315 = vector.broadcast %broadcast_in_dim3A_314 : f32 to vector<16xf32>
      tpu.vector_store_idx %arg16[%get3A_313], %broadcast_in_dim3A_315 {add = true} : memref<10000xf32, #tpu.memory_space<vmem>>[vector<16xi32>], vector<16xf32>,
      %get3A_316 = arith.constant 1 : i32
      %get3A_317 = arith.index_cast %get3A_316 : i32 to index
      %get3A_318 = arith.constant 32 : index
      %get3A_319 = tpu.vector_load %arg10[%get3A_317, %get3A_318] {strides = array<i32>} : memref<2x80xi32, #tpu.memory_space<vmem>>, vector<16xi32>,
      %broadcast_in_dim3A_320 = arith.constant 1.000000e+00 : f32
      %broadcast_in_dim3A_321 = vector.broadcast %broadcast_in_dim3A_320 : f32 to vector<16xf32>
      tpu.vector_store_idx %arg16[%get3A_319], %broadcast_in_dim3A_321 {add = true} : memref<10000xf32, #tpu.memory_space<vmem>>[vector<16xi32>], vector<16xf32>,
      %get3A_322 = arith.constant 1 : i32
      %get3A_323 = arith.index_cast %get3A_322 : i32 to index
      %get3A_324 = arith.constant 48 : index
      %get3A_325 = tpu.vector_load %arg10[%get3A_323, %get3A_324] {strides = array<i32>} : memref<2x80xi32, #tpu.memory_space<vmem>>, vector<16xi32>,
      %broadcast_in_dim3A_326 = arith.constant 1.000000e+00 : f32
      %broadcast_in_dim3A_327 = vector.broadcast %broadcast_in_dim3A_326 : f32 to vector<16xf32>
      tpu.vector_store_idx %arg16[%get3A_325], %broadcast_in_dim3A_327 {add = true} : memref<10000xf32, #tpu.memory_space<vmem>>[vector<16xi32>], vector<16xf32>,
      %get3A_328 = arith.constant 1 : i32
      %get3A_329 = arith.index_cast %get3A_328 : i32 to index
      %get3A_330 = arith.constant 64 : index
      %get3A_331 = tpu.vector_load %arg10[%get3A_329, %get3A_330] {strides = array<i32>} : memref<2x80xi32, #tpu.memory_space<vmem>>, vector<16xi32>,
      %broadcast_in_dim3A_332 = arith.constant 1.000000e+00 : f32
      %broadcast_in_dim3A_333 = vector.broadcast %broadcast_in_dim3A_332 : f32 to vector<16xf32>
      tpu.vector_store_idx %arg16[%get3A_331], %broadcast_in_dim3A_333 {add = true} : memref<10000xf32, #tpu.memory_space<vmem>>[vector<16xi32>], vector<16xf32>,
      %dma_wait3A_334 = arith.constant 0 : i32
      %dma_wait3A_335 = arith.constant 0 : i32
      %dma_wait3A_336 = tpu.memref_slice %arg11[%dma_wait3A_334, %dma_wait3A_335] : memref<2x80xi32, #tpu.memory_space<vmem>> -> memref<1x80xi32, #tpu.memory_space<vmem>>
      %dma_wait3A_337 = tpu.memref_squeeze %dma_wait3A_336 : memref<1x80xi32, #tpu.memory_space<vmem>> -> memref<80xi32, #tpu.memory_space<vmem>>
      %dma_wait3A_338 = arith.constant 0 : i32
      %dma_wait3A_339 = arith.constant 0 : i32
      %dma_wait3A_340 = tpu.memref_slice %arg2[%dma_wait3A_338, %dma_wait3A_339] : memref<10000x128xf32, #tpu.memory_space<hbm>> -> memref<10000x128xf32, #tpu.memory_space<hbm>>
      tpu.wait_indirect_dma semaphore(%arg23 : memref<!tpu.dma_semaphore, #tpu.memory_space<semaphore_mem>>) src(%dma_wait3A_340 : memref<10000x128xf32, #tpu.memory_space<hbm>>) dst(%arg13 : memref<80x128xf32, #tpu.memory_space<vmem>>)
      %dma_start3A_341 = arith.constant 1 : i32
      %dma_start3A_342 = arith.constant 0 : i32
      %dma_start3A_343 = tpu.memref_slice %arg11[%dma_start3A_341, %dma_start3A_342] : memref<2x80xi32, #tpu.memory_space<vmem>> -> memref<1x80xi32, #tpu.memory_space<vmem>>
      %dma_start3A_344 = tpu.memref_squeeze %dma_start3A_343 : memref<1x80xi32, #tpu.memory_space<vmem>> -> memref<80xi32, #tpu.memory_space<vmem>>
      %dma_start3A_345 = arith.constant 0 : i32
      %dma_start3A_346 = arith.constant 0 : i32
      %dma_start3A_347 = tpu.memref_slice %arg15[%dma_start3A_345, %dma_start3A_346] : memref<10000x128xf32, #tpu.memory_space<vmem_shared>> -> memref<10000x128xf32, #tpu.memory_space<vmem_shared>>
      tpu.enqueue_indirect_dma source(%arg13 : memref<80x128xf32, #tpu.memory_space<vmem>>) target(%dma_start3A_347 : memref<10000x128xf32, #tpu.memory_space<vmem_shared>>) offsets(%dma_start3A_344 : memref<80xi32, #tpu.memory_space<vmem>>) semaphore(%arg26 : memref<!tpu.dma_semaphore, #tpu.memory_space<semaphore_mem>>) {add = true}
      %get3A_348 = arith.constant 1 : i32
      %get3A_349 = arith.index_cast %get3A_348 : i32 to index
      %get3A_350 = arith.constant 0 : index
      %get3A_351 = tpu.vector_load %arg11[%get3A_349, %get3A_350] {strides = array<i32>} : memref<2x80xi32, #tpu.memory_space<vmem>>, vector<16xi32>,
      %broadcast_in_dim3A_352 = arith.constant 1.000000e+00 : f32
      %broadcast_in_dim3A_353 = vector.broadcast %broadcast_in_dim3A_352 : f32 to vector<16xf32>
      tpu.vector_store_idx %arg16[%get3A_351], %broadcast_in_dim3A_353 {add = true} : memref<10000xf32, #tpu.memory_space<vmem>>[vector<16xi32>], vector<16xf32>,
      %get3A_354 = arith.constant 1 : i32
      %get3A_355 = arith.index_cast %get3A_354 : i32 to index
      %get3A_356 = arith.constant 16 : index
      %get3A_357 = tpu.vector_load %arg11[%get3A_355, %get3A_356] {strides = array<i32>} : memref<2x80xi32, #tpu.memory_space<vmem>>, vector<16xi32>,
      %broadcast_in_dim3A_358 = arith.constant 1.000000e+00 : f32
      %broadcast_in_dim3A_359 = vector.broadcast %broadcast_in_dim3A_358 : f32 to vector<16xf32>
      tpu.vector_store_idx %arg16[%get3A_357], %broadcast_in_dim3A_359 {add = true} : memref<10000xf32, #tpu.memory_space<vmem>>[vector<16xi32>], vector<16xf32>,
      %get3A_360 = arith.constant 1 : i32
      %get3A_361 = arith.index_cast %get3A_360 : i32 to index
      %get3A_362 = arith.constant 32 : index
      %get3A_363 = tpu.vector_load %arg11[%get3A_361, %get3A_362] {strides = array<i32>} : memref<2x80xi32, #tpu.memory_space<vmem>>, vector<16xi32>,
      %broadcast_in_dim3A_364 = arith.constant 1.000000e+00 : f32
      %broadcast_in_dim3A_365 = vector.broadcast %broadcast_in_dim3A_364 : f32 to vector<16xf32>
      tpu.vector_store_idx %arg16[%get3A_363], %broadcast_in_dim3A_365 {add = true} : memref<10000xf32, #tpu.memory_space<vmem>>[vector<16xi32>], vector<16xf32>,
      %get3A_366 = arith.constant 1 : i32
      %get3A_367 = arith.index_cast %get3A_366 : i32 to index
      %get3A_368 = arith.constant 48 : index
      %get3A_369 = tpu.vector_load %arg11[%get3A_367, %get3A_368] {strides = array<i32>} : memref<2x80xi32, #tpu.memory_space<vmem>>, vector<16xi32>,
      %broadcast_in_dim3A_370 = arith.constant 1.000000e+00 : f32
      %broadcast_in_dim3A_371 = vector.broadcast %broadcast_in_dim3A_370 : f32 to vector<16xf32>
      tpu.vector_store_idx %arg16[%get3A_369], %broadcast_in_dim3A_371 {add = true} : memref<10000xf32, #tpu.memory_space<vmem>>[vector<16xi32>], vector<16xf32>,
      %get3A_372 = arith.constant 1 : i32
      %get3A_373 = arith.index_cast %get3A_372 : i32 to index
      %get3A_374 = arith.constant 64 : index
      %get3A_375 = tpu.vector_load %arg11[%get3A_373, %get3A_374] {strides = array<i32>} : memref<2x80xi32, #tpu.memory_space<vmem>>, vector<16xi32>,
      %broadcast_in_dim3A_376 = arith.constant 1.000000e+00 : f32
      %broadcast_in_dim3A_377 = vector.broadcast %broadcast_in_dim3A_376 : f32 to vector<16xf32>
      tpu.vector_store_idx %arg16[%get3A_375], %broadcast_in_dim3A_377 {add = true} : memref<10000xf32, #tpu.memory_space<vmem>>[vector<16xi32>], vector<16xf32>,
      %dma_wait3A_378 = arith.constant 1 : i32
      %dma_wait3A_379 = arith.constant 0 : i32
      %dma_wait3A_380 = tpu.memref_slice %arg9[%dma_wait3A_378, %dma_wait3A_379] : memref<2x80xi32, #tpu.memory_space<vmem>> -> memref<1x80xi32, #tpu.memory_space<vmem>>
      %dma_wait3A_381 = tpu.memref_squeeze %dma_wait3A_380 : memref<1x80xi32, #tpu.memory_space<vmem>> -> memref<80xi32, #tpu.memory_space<vmem>>
      %dma_wait3A_382 = arith.constant 0 : i32
      %dma_wait3A_383 = arith.constant 0 : i32
      %dma_wait3A_384 = tpu.memref_slice %arg15[%dma_wait3A_382, %dma_wait3A_383] : memref<10000x128xf32, #tpu.memory_space<vmem_shared>> -> memref<10000x128xf32, #tpu.memory_space<vmem_shared>>
      tpu.wait_indirect_dma semaphore(%arg27 : memref<!tpu.dma_semaphore, #tpu.memory_space<semaphore_mem>>) src(%arg14 : memref<80x128xf32, #tpu.memory_space<vmem>>) dst(%dma_wait3A_384 : memref<10000x128xf32, #tpu.memory_space<vmem_shared>>)
      %dma_wait3A_385 = arith.constant 1 : i32
      %dma_wait3A_386 = arith.constant 0 : i32
      %dma_wait3A_387 = tpu.memref_slice %arg10[%dma_wait3A_385, %dma_wait3A_386] : memref<2x80xi32, #tpu.memory_space<vmem>> -> memref<1x80xi32, #tpu.memory_space<vmem>>
      %dma_wait3A_388 = tpu.memref_squeeze %dma_wait3A_387 : memref<1x80xi32, #tpu.memory_space<vmem>> -> memref<80xi32, #tpu.memory_space<vmem>>
      %dma_wait3A_389 = arith.constant 0 : i32
      %dma_wait3A_390 = arith.constant 0 : i32
      %dma_wait3A_391 = tpu.memref_slice %arg15[%dma_wait3A_389, %dma_wait3A_390] : memref<10000x128xf32, #tpu.memory_space<vmem_shared>> -> memref<10000x128xf32, #tpu.memory_space<vmem_shared>>
      tpu.wait_indirect_dma semaphore(%arg25 : memref<!tpu.dma_semaphore, #tpu.memory_space<semaphore_mem>>) src(%arg12 : memref<80x128xf32, #tpu.memory_space<vmem>>) dst(%dma_wait3A_391 : memref<10000x128xf32, #tpu.memory_space<vmem_shared>>)
      %dma_wait3A_392 = arith.constant 1 : i32
      %dma_wait3A_393 = arith.constant 0 : i32
      %dma_wait3A_394 = tpu.memref_slice %arg11[%dma_wait3A_392, %dma_wait3A_393] : memref<2x80xi32, #tpu.memory_space<vmem>> -> memref<1x80xi32, #tpu.memory_space<vmem>>
      %dma_wait3A_395 = tpu.memref_squeeze %dma_wait3A_394 : memref<1x80xi32, #tpu.memory_space<vmem>> -> memref<80xi32, #tpu.memory_space<vmem>>
      %dma_wait3A_396 = arith.constant 0 : i32
      %dma_wait3A_397 = arith.constant 0 : i32
      %dma_wait3A_398 = tpu.memref_slice %arg15[%dma_wait3A_396, %dma_wait3A_397] : memref<10000x128xf32, #tpu.memory_space<vmem_shared>> -> memref<10000x128xf32, #tpu.memory_space<vmem_shared>>
      tpu.wait_indirect_dma semaphore(%arg26 : memref<!tpu.dma_semaphore, #tpu.memory_space<semaphore_mem>>) src(%arg13 : memref<80x128xf32, #tpu.memory_space<vmem>>) dst(%dma_wait3A_398 : memref<10000x128xf32, #tpu.memory_space<vmem_shared>>)
    }
    %scan3A_13 = arith.constant 25 : i32
    %barrier3A_14 = arith.constant 0 : index
    tpu.barrier barrier_id(%barrier3A_14)
    "tpu.region"() ({
      %run_scoped3A_15 = tpu.sem_alloc : memref<!tpu.dma_semaphore, #tpu.memory_space<semaphore_mem>>
      %dma_start3A = arith.constant 0 : i32
      %dma_start3A_16 = tpu.memref_slice %arg5[%arg0, %multiple_of3A, %dma_start3A] : memref<2x10000x128xf32, #tpu.memory_space<hbm>> -> memref<1x640x128xf32, #tpu.memory_space<hbm>>
      %dma_start3A_17 = tpu.memref_squeeze %dma_start3A_16 : memref<1x640x128xf32, #tpu.memory_space<hbm>> -> memref<640x128xf32, #tpu.memory_space<hbm>>
      %dma_start3A_18 = arith.constant 0 : i32
      %dma_start3A_19 = tpu.memref_slice %arg15[%multiple_of3A, %dma_start3A_18] : memref<10000x128xf32, #tpu.memory_space<vmem_shared>> -> memref<640x128xf32, #tpu.memory_space<vmem_shared>>
      tpu.enqueue_dma source(%dma_start3A_19 : memref<640x128xf32, #tpu.memory_space<vmem_shared>>) target(%dma_start3A_17 : memref<640x128xf32, #tpu.memory_space<hbm>>) target_semaphore(%run_scoped3A_15 : memref<!tpu.dma_semaphore, #tpu.memory_space<semaphore_mem>>)
      %dma_wait3A = arith.constant 0 : i32
      %dma_wait3A_20 = tpu.memref_slice %arg5[%arg0, %multiple_of3A, %dma_wait3A] : memref<2x10000x128xf32, #tpu.memory_space<hbm>> -> memref<1x640x128xf32, #tpu.memory_space<hbm>>
      %dma_wait3A_21 = tpu.memref_squeeze %dma_wait3A_20 : memref<1x640x128xf32, #tpu.memory_space<hbm>> -> memref<640x128xf32, #tpu.memory_space<hbm>>
      %dma_wait3A_22 = arith.constant 0 : i32
      %dma_wait3A_23 = tpu.memref_slice %arg15[%multiple_of3A, %dma_wait3A_22] : memref<10000x128xf32, #tpu.memory_space<vmem_shared>> -> memref<640x128xf32, #tpu.memory_space<vmem_shared>>
      tpu.wait_dma2 semaphore(%run_scoped3A_15 : memref<!tpu.dma_semaphore, #tpu.memory_space<semaphore_mem>>) src(%dma_wait3A_23 : memref<640x128xf32, #tpu.memory_space<vmem_shared>>) dst(%dma_wait3A_21 : memref<640x128xf32, #tpu.memory_space<hbm>>)
      tpu.yield
    }) : () -> ()
    %run_scoped3A = arith.constant 0 : i32
    "tpu.region"() ({
      %run_scoped3A_15 = tpu.sem_alloc : memref<!tpu.dma_semaphore, #tpu.memory_space<semaphore_mem>>
      %dma_start3A = arith.constant 0 : i32
      %dma_start3A_16 = tpu.memref_slice %arg6[%add3A, %run_scoped3A, %dma_start3A] : memref<32x8x10000xf32, #tpu.memory_space<hbm>> -> memref<1x1x10000xf32, #tpu.memory_space<hbm>>
      %dma_start3A_17 = tpu.memref_squeeze %dma_start3A_16 : memref<1x1x10000xf32, #tpu.memory_space<hbm>> -> memref<10000xf32, #tpu.memory_space<hbm>>
      %dma_start3A_18 = arith.constant 0 : i32
      %dma_start3A_19 = tpu.memref_slice %arg6[%add3A, %run_scoped3A, %dma_start3A_18] : memref<32x8x10000xf32, #tpu.memory_space<hbm>> -> memref<1x1x10000xf32, #tpu.memory_space<hbm>>
      %dma_start3A_20 = tpu.memref_squeeze %dma_start3A_19 : memref<1x1x10000xf32, #tpu.memory_space<hbm>> -> memref<10000xf32, #tpu.memory_space<hbm>>
      tpu.enqueue_dma source(%arg16 : memref<10000xf32, #tpu.memory_space<vmem>>) target(%dma_start3A_20 : memref<10000xf32, #tpu.memory_space<hbm>>) target_semaphore(%run_scoped3A_15 : memref<!tpu.dma_semaphore, #tpu.memory_space<semaphore_mem>>)
      %dma_wait3A = arith.constant 0 : i32
      %dma_wait3A_21 = tpu.memref_slice %arg6[%add3A, %run_scoped3A, %dma_wait3A] : memref<32x8x10000xf32, #tpu.memory_space<hbm>> -> memref<1x1x10000xf32, #tpu.memory_space<hbm>>
      %dma_wait3A_22 = tpu.memref_squeeze %dma_wait3A_21 : memref<1x1x10000xf32, #tpu.memory_space<hbm>> -> memref<10000xf32, #tpu.memory_space<hbm>>
      %dma_wait3A_23 = arith.constant 0 : i32
      %dma_wait3A_24 = tpu.memref_slice %arg6[%add3A, %run_scoped3A, %dma_wait3A_23] : memref<32x8x10000xf32, #tpu.memory_space<hbm>> -> memref<1x1x10000xf32, #tpu.memory_space<hbm>>
      %dma_wait3A_25 = tpu.memref_squeeze %dma_wait3A_24 : memref<1x1x10000xf32, #tpu.memory_space<hbm>> -> memref<10000xf32, #tpu.memory_space<hbm>>
      tpu.wait_dma2 semaphore(%run_scoped3A_15 : memref<!tpu.dma_semaphore, #tpu.memory_space<semaphore_mem>>) src(%arg16 : memref<10000xf32, #tpu.memory_space<vmem>>) dst(%dma_wait3A_25 : memref<10000xf32, #tpu.memory_space<hbm>>)
      tpu.yield
    }) : () -> ()
    return
  }
}

#map = affine_map<(d0, d1) -> (0, 0)>
#map1 = affine_map<(d0, d1) -> (0, 0, 0)>
module attributes {stable_mosaic.version = 14 : i64} {
  func.func @body(%arg0: i32, %arg1: i32, %arg2: memref<10000x128xf32, #tpu.memory_space<hbm>>, %arg3: memref<4000x2x80xi32, #tpu.memory_space<hbm>>, %arg4: memref<640x128xf32, #tpu.memory_space<hbm>>, %arg5: memref<2x10000x128xf32, #tpu.memory_space<hbm>>, %arg6: memref<2x80xi32, #tpu.memory_space<vmem>>, %arg7: memref<2x80xi32, #tpu.memory_space<vmem>>, %arg8: memref<2x80xi32, #tpu.memory_space<vmem>>, %arg9: memref<2x80xi32, #tpu.memory_space<vmem>>, %arg10: memref<2x80xi32, #tpu.memory_space<vmem>>, %arg11: memref<80x128xf32, #tpu.memory_space<vmem>>, %arg12: memref<80x128xf32, #tpu.memory_space<vmem>>, %arg13: memref<80x128xf32, #tpu.memory_space<vmem>>, %arg14: memref<10000x128xf32, #tpu.memory_space<vmem_shared>>, %arg15: memref<!tpu.dma_semaphore, #tpu.memory_space<semaphore_mem>>, %arg16: memref<!tpu.dma_semaphore, #tpu.memory_space<semaphore_mem>>, %arg17: memref<!tpu.dma_semaphore, #tpu.memory_space<semaphore_mem>>, %arg18: memref<!tpu.dma_semaphore, #tpu.memory_space<semaphore_mem>>, %arg19: memref<!tpu.dma_semaphore, #tpu.memory_space<semaphore_mem>>, %arg20: memref<!tpu.dma_semaphore, #tpu.memory_space<semaphore_mem>>, %arg21: memref<!tpu.dma_semaphore, #tpu.memory_space<semaphore_mem>>, %arg22: memref<!tpu.dma_semaphore, #tpu.memory_space<semaphore_mem>>, %arg23: memref<!tpu.dma_semaphore, #tpu.memory_space<semaphore_mem>>, %arg24: memref<!tpu.dma_semaphore, #tpu.memory_space<semaphore_mem>>, %arg25: memref<!tpu.dma_semaphore, #tpu.memory_space<semaphore_mem>>) attributes {dimension_semantics = [#tpu.dimension_semantics<core_parallel>, #tpu.dimension_semantics<subcore_parallel>], iteration_bounds = array<i64: 2, 16>, scalar_prefetch = 0 : i64, scratch_operands = 20 : i64, tpu.core_type = #tpu.core_type<sc_vector_subcore>, window_params = [{transform_indices = #map}, {transform_indices = #map1}, {transform_indices = #map}, {transform_indices = #map1}]} {
    %mul3A = arith.constant 16 : i32
    %mul3A_0 = arith.muli %arg0, %mul3A : i32
    %add3A = arith.addi %mul3A_0, %arg1 : i32
    %mul3A_1 = arith.constant 624 : i32
    %mul3A_2 = arith.muli %arg1, %mul3A_1 : i32
    %multiple_of3A = tpu.assume_multiple %mul3A_2, 8 : i32
    %mul3A_3 = arith.constant 125 : i32
    %mul3A_4 = arith.muli %add3A, %mul3A_3 : i32
    "tpu.region"() ({
      %run_scoped3A = tpu.sem_alloc : memref<!tpu.dma_semaphore, #tpu.memory_space<semaphore_mem>>
      %dma_start3A = arith.constant 0 : i32
      %dma_start3A_10 = tpu.memref_slice %arg14[%multiple_of3A, %dma_start3A] : memref<10000x128xf32, #tpu.memory_space<vmem_shared>> -> memref<640x128xf32, #tpu.memory_space<vmem_shared>>
      tpu.enqueue_dma source(%arg4 : memref<640x128xf32, #tpu.memory_space<hbm>>) target(%dma_start3A_10 : memref<640x128xf32, #tpu.memory_space<vmem_shared>>) target_semaphore(%run_scoped3A : memref<!tpu.dma_semaphore, #tpu.memory_space<semaphore_mem>>)
      %dma_wait3A = arith.constant 0 : i32
      %dma_wait3A_11 = tpu.memref_slice %arg14[%multiple_of3A, %dma_wait3A] : memref<10000x128xf32, #tpu.memory_space<vmem_shared>> -> memref<640x128xf32, #tpu.memory_space<vmem_shared>>
      tpu.wait_dma2 semaphore(%run_scoped3A : memref<!tpu.dma_semaphore, #tpu.memory_space<semaphore_mem>>) src(%arg4 : memref<640x128xf32, #tpu.memory_space<hbm>>) dst(%dma_wait3A_11 : memref<640x128xf32, #tpu.memory_space<vmem_shared>>)
      tpu.yield
    }) : () -> ()
    %barrier3A = arith.constant 0 : index
    tpu.barrier barrier_id(%barrier3A)
    %scan3A = arith.constant 0 : i32
    %scan3A_5 = arith.constant 25 : i32
    %scan3A_6 = arith.addi %scan3A, %scan3A_5 : i32
    %scan3A_7 = arith.constant 1 : i32
    scf.for %scan3A_10 = %scan3A to %scan3A_6 step %scan3A_7  : i32 {
      %mul3A_11 = arith.constant 1 : i32
      %mul3A_12 = arith.muli %scan3A_10, %mul3A_11 : i32
      %add3A_13 = arith.constant 0 : i32
      %add3A_14 = arith.addi %add3A_13, %mul3A_12 : i32
      %mul3A_15 = arith.constant 5 : i32
      %mul3A_16 = arith.muli %add3A_14, %mul3A_15 : i32
      %add3A_17 = arith.addi %mul3A_4, %mul3A_16 : i32
      %add3A_18 = arith.constant 0 : i32
      %add3A_19 = arith.addi %add3A_17, %add3A_18 : i32
      %dma_start3A = arith.constant 0 : i32
      %dma_start3A_20 = arith.constant 0 : i32
      %dma_start3A_21 = tpu.memref_slice %arg3[%add3A_19, %dma_start3A, %dma_start3A_20] : memref<4000x2x80xi32, #tpu.memory_space<hbm>> -> memref<1x2x80xi32, #tpu.memory_space<hbm>>
      %dma_start3A_22 = tpu.memref_squeeze %dma_start3A_21 : memref<1x2x80xi32, #tpu.memory_space<hbm>> -> memref<2x80xi32, #tpu.memory_space<hbm>>
      %dma_start3A_23 = arith.constant 0 : i32
      %dma_start3A_24 = arith.constant 0 : i32
      %dma_start3A_25 = tpu.memref_slice %arg3[%add3A_19, %dma_start3A_23, %dma_start3A_24] : memref<4000x2x80xi32, #tpu.memory_space<hbm>> -> memref<1x2x80xi32, #tpu.memory_space<hbm>>
      %dma_start3A_26 = tpu.memref_squeeze %dma_start3A_25 : memref<1x2x80xi32, #tpu.memory_space<hbm>> -> memref<2x80xi32, #tpu.memory_space<hbm>>
      tpu.enqueue_dma source(%dma_start3A_26 : memref<2x80xi32, #tpu.memory_space<hbm>>) target(%arg6 : memref<2x80xi32, #tpu.memory_space<vmem>>) target_semaphore(%arg15 : memref<!tpu.dma_semaphore, #tpu.memory_space<semaphore_mem>>)
      %add3A_27 = arith.constant 1 : i32
      %add3A_28 = arith.addi %add3A_17, %add3A_27 : i32
      %dma_start3A_29 = arith.constant 0 : i32
      %dma_start3A_30 = arith.constant 0 : i32
      %dma_start3A_31 = tpu.memref_slice %arg3[%add3A_28, %dma_start3A_29, %dma_start3A_30] : memref<4000x2x80xi32, #tpu.memory_space<hbm>> -> memref<1x2x80xi32, #tpu.memory_space<hbm>>
      %dma_start3A_32 = tpu.memref_squeeze %dma_start3A_31 : memref<1x2x80xi32, #tpu.memory_space<hbm>> -> memref<2x80xi32, #tpu.memory_space<hbm>>
      %dma_start3A_33 = arith.constant 0 : i32
      %dma_start3A_34 = arith.constant 0 : i32
      %dma_start3A_35 = tpu.memref_slice %arg3[%add3A_28, %dma_start3A_33, %dma_start3A_34] : memref<4000x2x80xi32, #tpu.memory_space<hbm>> -> memref<1x2x80xi32, #tpu.memory_space<hbm>>
      %dma_start3A_36 = tpu.memref_squeeze %dma_start3A_35 : memref<1x2x80xi32, #tpu.memory_space<hbm>> -> memref<2x80xi32, #tpu.memory_space<hbm>>
      tpu.enqueue_dma source(%dma_start3A_36 : memref<2x80xi32, #tpu.memory_space<hbm>>) target(%arg7 : memref<2x80xi32, #tpu.memory_space<vmem>>) target_semaphore(%arg16 : memref<!tpu.dma_semaphore, #tpu.memory_space<semaphore_mem>>)
      %add3A_37 = arith.constant 2 : i32
      %add3A_38 = arith.addi %add3A_17, %add3A_37 : i32
      %dma_start3A_39 = arith.constant 0 : i32
      %dma_start3A_40 = arith.constant 0 : i32
      %dma_start3A_41 = tpu.memref_slice %arg3[%add3A_38, %dma_start3A_39, %dma_start3A_40] : memref<4000x2x80xi32, #tpu.memory_space<hbm>> -> memref<1x2x80xi32, #tpu.memory_space<hbm>>
      %dma_start3A_42 = tpu.memref_squeeze %dma_start3A_41 : memref<1x2x80xi32, #tpu.memory_space<hbm>> -> memref<2x80xi32, #tpu.memory_space<hbm>>
      %dma_start3A_43 = arith.constant 0 : i32
      %dma_start3A_44 = arith.constant 0 : i32
      %dma_start3A_45 = tpu.memref_slice %arg3[%add3A_38, %dma_start3A_43, %dma_start3A_44] : memref<4000x2x80xi32, #tpu.memory_space<hbm>> -> memref<1x2x80xi32, #tpu.memory_space<hbm>>
      %dma_start3A_46 = tpu.memref_squeeze %dma_start3A_45 : memref<1x2x80xi32, #tpu.memory_space<hbm>> -> memref<2x80xi32, #tpu.memory_space<hbm>>
      tpu.enqueue_dma source(%dma_start3A_46 : memref<2x80xi32, #tpu.memory_space<hbm>>) target(%arg8 : memref<2x80xi32, #tpu.memory_space<vmem>>) target_semaphore(%arg17 : memref<!tpu.dma_semaphore, #tpu.memory_space<semaphore_mem>>)
      %add3A_47 = arith.constant 3 : i32
      %add3A_48 = arith.addi %add3A_17, %add3A_47 : i32
      %dma_start3A_49 = arith.constant 0 : i32
      %dma_start3A_50 = arith.constant 0 : i32
      %dma_start3A_51 = tpu.memref_slice %arg3[%add3A_48, %dma_start3A_49, %dma_start3A_50] : memref<4000x2x80xi32, #tpu.memory_space<hbm>> -> memref<1x2x80xi32, #tpu.memory_space<hbm>>
      %dma_start3A_52 = tpu.memref_squeeze %dma_start3A_51 : memref<1x2x80xi32, #tpu.memory_space<hbm>> -> memref<2x80xi32, #tpu.memory_space<hbm>>
      %dma_start3A_53 = arith.constant 0 : i32
      %dma_start3A_54 = arith.constant 0 : i32
      %dma_start3A_55 = tpu.memref_slice %arg3[%add3A_48, %dma_start3A_53, %dma_start3A_54] : memref<4000x2x80xi32, #tpu.memory_space<hbm>> -> memref<1x2x80xi32, #tpu.memory_space<hbm>>
      %dma_start3A_56 = tpu.memref_squeeze %dma_start3A_55 : memref<1x2x80xi32, #tpu.memory_space<hbm>> -> memref<2x80xi32, #tpu.memory_space<hbm>>
      tpu.enqueue_dma source(%dma_start3A_56 : memref<2x80xi32, #tpu.memory_space<hbm>>) target(%arg9 : memref<2x80xi32, #tpu.memory_space<vmem>>) target_semaphore(%arg18 : memref<!tpu.dma_semaphore, #tpu.memory_space<semaphore_mem>>)
      %add3A_57 = arith.constant 4 : i32
      %add3A_58 = arith.addi %add3A_17, %add3A_57 : i32
      %dma_start3A_59 = arith.constant 0 : i32
      %dma_start3A_60 = arith.constant 0 : i32
      %dma_start3A_61 = tpu.memref_slice %arg3[%add3A_58, %dma_start3A_59, %dma_start3A_60] : memref<4000x2x80xi32, #tpu.memory_space<hbm>> -> memref<1x2x80xi32, #tpu.memory_space<hbm>>
      %dma_start3A_62 = tpu.memref_squeeze %dma_start3A_61 : memref<1x2x80xi32, #tpu.memory_space<hbm>> -> memref<2x80xi32, #tpu.memory_space<hbm>>
      %dma_start3A_63 = arith.constant 0 : i32
      %dma_start3A_64 = arith.constant 0 : i32
      %dma_start3A_65 = tpu.memref_slice %arg3[%add3A_58, %dma_start3A_63, %dma_start3A_64] : memref<4000x2x80xi32, #tpu.memory_space<hbm>> -> memref<1x2x80xi32, #tpu.memory_space<hbm>>
      %dma_start3A_66 = tpu.memref_squeeze %dma_start3A_65 : memref<1x2x80xi32, #tpu.memory_space<hbm>> -> memref<2x80xi32, #tpu.memory_space<hbm>>
      tpu.enqueue_dma source(%dma_start3A_66 : memref<2x80xi32, #tpu.memory_space<hbm>>) target(%arg10 : memref<2x80xi32, #tpu.memory_space<vmem>>) target_semaphore(%arg19 : memref<!tpu.dma_semaphore, #tpu.memory_space<semaphore_mem>>)
      %dma_wait3A = arith.constant 0 : i32
      %dma_wait3A_67 = arith.constant 0 : i32
      %dma_wait3A_68 = tpu.memref_slice %arg3[%add3A_19, %dma_wait3A, %dma_wait3A_67] : memref<4000x2x80xi32, #tpu.memory_space<hbm>> -> memref<1x2x80xi32, #tpu.memory_space<hbm>>
      %dma_wait3A_69 = tpu.memref_squeeze %dma_wait3A_68 : memref<1x2x80xi32, #tpu.memory_space<hbm>> -> memref<2x80xi32, #tpu.memory_space<hbm>>
      %dma_wait3A_70 = arith.constant 0 : i32
      %dma_wait3A_71 = arith.constant 0 : i32
      %dma_wait3A_72 = tpu.memref_slice %arg3[%add3A_19, %dma_wait3A_70, %dma_wait3A_71] : memref<4000x2x80xi32, #tpu.memory_space<hbm>> -> memref<1x2x80xi32, #tpu.memory_space<hbm>>
      %dma_wait3A_73 = tpu.memref_squeeze %dma_wait3A_72 : memref<1x2x80xi32, #tpu.memory_space<hbm>> -> memref<2x80xi32, #tpu.memory_space<hbm>>
      tpu.wait_dma2 semaphore(%arg15 : memref<!tpu.dma_semaphore, #tpu.memory_space<semaphore_mem>>) src(%dma_wait3A_73 : memref<2x80xi32, #tpu.memory_space<hbm>>) dst(%arg6 : memref<2x80xi32, #tpu.memory_space<vmem>>)
      %dma_start3A_74 = arith.constant 0 : i32
      %dma_start3A_75 = arith.constant 0 : i32
      %dma_start3A_76 = tpu.memref_slice %arg6[%dma_start3A_74, %dma_start3A_75] : memref<2x80xi32, #tpu.memory_space<vmem>> -> memref<1x80xi32, #tpu.memory_space<vmem>>
      %dma_start3A_77 = tpu.memref_squeeze %dma_start3A_76 : memref<1x80xi32, #tpu.memory_space<vmem>> -> memref<80xi32, #tpu.memory_space<vmem>>
      %dma_start3A_78 = arith.constant 0 : i32
      %dma_start3A_79 = arith.constant 0 : i32
      %dma_start3A_80 = tpu.memref_slice %arg2[%dma_start3A_78, %dma_start3A_79] : memref<10000x128xf32, #tpu.memory_space<hbm>> -> memref<10000x128xf32, #tpu.memory_space<hbm>>
      tpu.enqueue_indirect_dma source(%dma_start3A_80 : memref<10000x128xf32, #tpu.memory_space<hbm>>) target(%arg11 : memref<80x128xf32, #tpu.memory_space<vmem>>) offsets(%dma_start3A_77 : memref<80xi32, #tpu.memory_space<vmem>>) semaphore(%arg20 : memref<!tpu.dma_semaphore, #tpu.memory_space<semaphore_mem>>)
      %dma_wait3A_81 = arith.constant 0 : i32
      %dma_wait3A_82 = arith.constant 0 : i32
      %dma_wait3A_83 = tpu.memref_slice %arg3[%add3A_28, %dma_wait3A_81, %dma_wait3A_82] : memref<4000x2x80xi32, #tpu.memory_space<hbm>> -> memref<1x2x80xi32, #tpu.memory_space<hbm>>
      %dma_wait3A_84 = tpu.memref_squeeze %dma_wait3A_83 : memref<1x2x80xi32, #tpu.memory_space<hbm>> -> memref<2x80xi32, #tpu.memory_space<hbm>>
      %dma_wait3A_85 = arith.constant 0 : i32
      %dma_wait3A_86 = arith.constant 0 : i32
      %dma_wait3A_87 = tpu.memref_slice %arg3[%add3A_28, %dma_wait3A_85, %dma_wait3A_86] : memref<4000x2x80xi32, #tpu.memory_space<hbm>> -> memref<1x2x80xi32, #tpu.memory_space<hbm>>
      %dma_wait3A_88 = tpu.memref_squeeze %dma_wait3A_87 : memref<1x2x80xi32, #tpu.memory_space<hbm>> -> memref<2x80xi32, #tpu.memory_space<hbm>>
      tpu.wait_dma2 semaphore(%arg16 : memref<!tpu.dma_semaphore, #tpu.memory_space<semaphore_mem>>) src(%dma_wait3A_88 : memref<2x80xi32, #tpu.memory_space<hbm>>) dst(%arg7 : memref<2x80xi32, #tpu.memory_space<vmem>>)
      %dma_start3A_89 = arith.constant 0 : i32
      %dma_start3A_90 = arith.constant 0 : i32
      %dma_start3A_91 = tpu.memref_slice %arg7[%dma_start3A_89, %dma_start3A_90] : memref<2x80xi32, #tpu.memory_space<vmem>> -> memref<1x80xi32, #tpu.memory_space<vmem>>
      %dma_start3A_92 = tpu.memref_squeeze %dma_start3A_91 : memref<1x80xi32, #tpu.memory_space<vmem>> -> memref<80xi32, #tpu.memory_space<vmem>>
      %dma_start3A_93 = arith.constant 0 : i32
      %dma_start3A_94 = arith.constant 0 : i32
      %dma_start3A_95 = tpu.memref_slice %arg2[%dma_start3A_93, %dma_start3A_94] : memref<10000x128xf32, #tpu.memory_space<hbm>> -> memref<10000x128xf32, #tpu.memory_space<hbm>>
      tpu.enqueue_indirect_dma source(%dma_start3A_95 : memref<10000x128xf32, #tpu.memory_space<hbm>>) target(%arg12 : memref<80x128xf32, #tpu.memory_space<vmem>>) offsets(%dma_start3A_92 : memref<80xi32, #tpu.memory_space<vmem>>) semaphore(%arg21 : memref<!tpu.dma_semaphore, #tpu.memory_space<semaphore_mem>>)
      %dma_wait3A_96 = arith.constant 0 : i32
      %dma_wait3A_97 = arith.constant 0 : i32
      %dma_wait3A_98 = tpu.memref_slice %arg3[%add3A_38, %dma_wait3A_96, %dma_wait3A_97] : memref<4000x2x80xi32, #tpu.memory_space<hbm>> -> memref<1x2x80xi32, #tpu.memory_space<hbm>>
      %dma_wait3A_99 = tpu.memref_squeeze %dma_wait3A_98 : memref<1x2x80xi32, #tpu.memory_space<hbm>> -> memref<2x80xi32, #tpu.memory_space<hbm>>
      %dma_wait3A_100 = arith.constant 0 : i32
      %dma_wait3A_101 = arith.constant 0 : i32
      %dma_wait3A_102 = tpu.memref_slice %arg3[%add3A_38, %dma_wait3A_100, %dma_wait3A_101] : memref<4000x2x80xi32, #tpu.memory_space<hbm>> -> memref<1x2x80xi32, #tpu.memory_space<hbm>>
      %dma_wait3A_103 = tpu.memref_squeeze %dma_wait3A_102 : memref<1x2x80xi32, #tpu.memory_space<hbm>> -> memref<2x80xi32, #tpu.memory_space<hbm>>
      tpu.wait_dma2 semaphore(%arg17 : memref<!tpu.dma_semaphore, #tpu.memory_space<semaphore_mem>>) src(%dma_wait3A_103 : memref<2x80xi32, #tpu.memory_space<hbm>>) dst(%arg8 : memref<2x80xi32, #tpu.memory_space<vmem>>)
      %dma_start3A_104 = arith.constant 0 : i32
      %dma_start3A_105 = arith.constant 0 : i32
      %dma_start3A_106 = tpu.memref_slice %arg8[%dma_start3A_104, %dma_start3A_105] : memref<2x80xi32, #tpu.memory_space<vmem>> -> memref<1x80xi32, #tpu.memory_space<vmem>>
      %dma_start3A_107 = tpu.memref_squeeze %dma_start3A_106 : memref<1x80xi32, #tpu.memory_space<vmem>> -> memref<80xi32, #tpu.memory_space<vmem>>
      %dma_start3A_108 = arith.constant 0 : i32
      %dma_start3A_109 = arith.constant 0 : i32
      %dma_start3A_110 = tpu.memref_slice %arg2[%dma_start3A_108, %dma_start3A_109] : memref<10000x128xf32, #tpu.memory_space<hbm>> -> memref<10000x128xf32, #tpu.memory_space<hbm>>
      tpu.enqueue_indirect_dma source(%dma_start3A_110 : memref<10000x128xf32, #tpu.memory_space<hbm>>) target(%arg13 : memref<80x128xf32, #tpu.memory_space<vmem>>) offsets(%dma_start3A_107 : memref<80xi32, #tpu.memory_space<vmem>>) semaphore(%arg22 : memref<!tpu.dma_semaphore, #tpu.memory_space<semaphore_mem>>)
      %dma_wait3A_111 = arith.constant 0 : i32
      %dma_wait3A_112 = arith.constant 0 : i32
      %dma_wait3A_113 = tpu.memref_slice %arg6[%dma_wait3A_111, %dma_wait3A_112] : memref<2x80xi32, #tpu.memory_space<vmem>> -> memref<1x80xi32, #tpu.memory_space<vmem>>
      %dma_wait3A_114 = tpu.memref_squeeze %dma_wait3A_113 : memref<1x80xi32, #tpu.memory_space<vmem>> -> memref<80xi32, #tpu.memory_space<vmem>>
      %dma_wait3A_115 = arith.constant 0 : i32
      %dma_wait3A_116 = arith.constant 0 : i32
      %dma_wait3A_117 = tpu.memref_slice %arg2[%dma_wait3A_115, %dma_wait3A_116] : memref<10000x128xf32, #tpu.memory_space<hbm>> -> memref<10000x128xf32, #tpu.memory_space<hbm>>
      tpu.wait_indirect_dma semaphore(%arg20 : memref<!tpu.dma_semaphore, #tpu.memory_space<semaphore_mem>>) src(%dma_wait3A_117 : memref<10000x128xf32, #tpu.memory_space<hbm>>) dst(%arg11 : memref<80x128xf32, #tpu.memory_space<vmem>>)
      %dma_start3A_118 = arith.constant 1 : i32
      %dma_start3A_119 = arith.constant 0 : i32
      %dma_start3A_120 = tpu.memref_slice %arg6[%dma_start3A_118, %dma_start3A_119] : memref<2x80xi32, #tpu.memory_space<vmem>> -> memref<1x80xi32, #tpu.memory_space<vmem>>
      %dma_start3A_121 = tpu.memref_squeeze %dma_start3A_120 : memref<1x80xi32, #tpu.memory_space<vmem>> -> memref<80xi32, #tpu.memory_space<vmem>>
      %dma_start3A_122 = arith.constant 0 : i32
      %dma_start3A_123 = arith.constant 0 : i32
      %dma_start3A_124 = tpu.memref_slice %arg14[%dma_start3A_122, %dma_start3A_123] : memref<10000x128xf32, #tpu.memory_space<vmem_shared>> -> memref<10000x128xf32, #tpu.memory_space<vmem_shared>>
      tpu.enqueue_indirect_dma source(%arg11 : memref<80x128xf32, #tpu.memory_space<vmem>>) target(%dma_start3A_124 : memref<10000x128xf32, #tpu.memory_space<vmem_shared>>) offsets(%dma_start3A_121 : memref<80xi32, #tpu.memory_space<vmem>>) semaphore(%arg23 : memref<!tpu.dma_semaphore, #tpu.memory_space<semaphore_mem>>) {add = true}
      %dma_wait3A_125 = arith.constant 1 : i32
      %dma_wait3A_126 = arith.constant 0 : i32
      %dma_wait3A_127 = tpu.memref_slice %arg6[%dma_wait3A_125, %dma_wait3A_126] : memref<2x80xi32, #tpu.memory_space<vmem>> -> memref<1x80xi32, #tpu.memory_space<vmem>>
      %dma_wait3A_128 = tpu.memref_squeeze %dma_wait3A_127 : memref<1x80xi32, #tpu.memory_space<vmem>> -> memref<80xi32, #tpu.memory_space<vmem>>
      %dma_wait3A_129 = arith.constant 0 : i32
      %dma_wait3A_130 = arith.constant 0 : i32
      %dma_wait3A_131 = tpu.memref_slice %arg14[%dma_wait3A_129, %dma_wait3A_130] : memref<10000x128xf32, #tpu.memory_space<vmem_shared>> -> memref<10000x128xf32, #tpu.memory_space<vmem_shared>>
      tpu.wait_indirect_dma semaphore(%arg23 : memref<!tpu.dma_semaphore, #tpu.memory_space<semaphore_mem>>) src(%arg11 : memref<80x128xf32, #tpu.memory_space<vmem>>) dst(%dma_wait3A_131 : memref<10000x128xf32, #tpu.memory_space<vmem_shared>>)
      %dma_wait3A_132 = arith.constant 0 : i32
      %dma_wait3A_133 = arith.constant 0 : i32
      %dma_wait3A_134 = tpu.memref_slice %arg3[%add3A_48, %dma_wait3A_132, %dma_wait3A_133] : memref<4000x2x80xi32, #tpu.memory_space<hbm>> -> memref<1x2x80xi32, #tpu.memory_space<hbm>>
      %dma_wait3A_135 = tpu.memref_squeeze %dma_wait3A_134 : memref<1x2x80xi32, #tpu.memory_space<hbm>> -> memref<2x80xi32, #tpu.memory_space<hbm>>
      %dma_wait3A_136 = arith.constant 0 : i32
      %dma_wait3A_137 = arith.constant 0 : i32
      %dma_wait3A_138 = tpu.memref_slice %arg3[%add3A_48, %dma_wait3A_136, %dma_wait3A_137] : memref<4000x2x80xi32, #tpu.memory_space<hbm>> -> memref<1x2x80xi32, #tpu.memory_space<hbm>>
      %dma_wait3A_139 = tpu.memref_squeeze %dma_wait3A_138 : memref<1x2x80xi32, #tpu.memory_space<hbm>> -> memref<2x80xi32, #tpu.memory_space<hbm>>
      tpu.wait_dma2 semaphore(%arg18 : memref<!tpu.dma_semaphore, #tpu.memory_space<semaphore_mem>>) src(%dma_wait3A_139 : memref<2x80xi32, #tpu.memory_space<hbm>>) dst(%arg9 : memref<2x80xi32, #tpu.memory_space<vmem>>)
      %dma_start3A_140 = arith.constant 0 : i32
      %dma_start3A_141 = arith.constant 0 : i32
      %dma_start3A_142 = tpu.memref_slice %arg9[%dma_start3A_140, %dma_start3A_141] : memref<2x80xi32, #tpu.memory_space<vmem>> -> memref<1x80xi32, #tpu.memory_space<vmem>>
      %dma_start3A_143 = tpu.memref_squeeze %dma_start3A_142 : memref<1x80xi32, #tpu.memory_space<vmem>> -> memref<80xi32, #tpu.memory_space<vmem>>
      %dma_start3A_144 = arith.constant 0 : i32
      %dma_start3A_145 = arith.constant 0 : i32
      %dma_start3A_146 = tpu.memref_slice %arg2[%dma_start3A_144, %dma_start3A_145] : memref<10000x128xf32, #tpu.memory_space<hbm>> -> memref<10000x128xf32, #tpu.memory_space<hbm>>
      tpu.enqueue_indirect_dma source(%dma_start3A_146 : memref<10000x128xf32, #tpu.memory_space<hbm>>) target(%arg11 : memref<80x128xf32, #tpu.memory_space<vmem>>) offsets(%dma_start3A_143 : memref<80xi32, #tpu.memory_space<vmem>>) semaphore(%arg20 : memref<!tpu.dma_semaphore, #tpu.memory_space<semaphore_mem>>)
      %dma_wait3A_147 = arith.constant 0 : i32
      %dma_wait3A_148 = arith.constant 0 : i32
      %dma_wait3A_149 = tpu.memref_slice %arg7[%dma_wait3A_147, %dma_wait3A_148] : memref<2x80xi32, #tpu.memory_space<vmem>> -> memref<1x80xi32, #tpu.memory_space<vmem>>
      %dma_wait3A_150 = tpu.memref_squeeze %dma_wait3A_149 : memref<1x80xi32, #tpu.memory_space<vmem>> -> memref<80xi32, #tpu.memory_space<vmem>>
      %dma_wait3A_151 = arith.constant 0 : i32
      %dma_wait3A_152 = arith.constant 0 : i32
      %dma_wait3A_153 = tpu.memref_slice %arg2[%dma_wait3A_151, %dma_wait3A_152] : memref<10000x128xf32, #tpu.memory_space<hbm>> -> memref<10000x128xf32, #tpu.memory_space<hbm>>
      tpu.wait_indirect_dma semaphore(%arg21 : memref<!tpu.dma_semaphore, #tpu.memory_space<semaphore_mem>>) src(%dma_wait3A_153 : memref<10000x128xf32, #tpu.memory_space<hbm>>) dst(%arg12 : memref<80x128xf32, #tpu.memory_space<vmem>>)
      %dma_start3A_154 = arith.constant 1 : i32
      %dma_start3A_155 = arith.constant 0 : i32
      %dma_start3A_156 = tpu.memref_slice %arg7[%dma_start3A_154, %dma_start3A_155] : memref<2x80xi32, #tpu.memory_space<vmem>> -> memref<1x80xi32, #tpu.memory_space<vmem>>
      %dma_start3A_157 = tpu.memref_squeeze %dma_start3A_156 : memref<1x80xi32, #tpu.memory_space<vmem>> -> memref<80xi32, #tpu.memory_space<vmem>>
      %dma_start3A_158 = arith.constant 0 : i32
      %dma_start3A_159 = arith.constant 0 : i32
      %dma_start3A_160 = tpu.memref_slice %arg14[%dma_start3A_158, %dma_start3A_159] : memref<10000x128xf32, #tpu.memory_space<vmem_shared>> -> memref<10000x128xf32, #tpu.memory_space<vmem_shared>>
      tpu.enqueue_indirect_dma source(%arg12 : memref<80x128xf32, #tpu.memory_space<vmem>>) target(%dma_start3A_160 : memref<10000x128xf32, #tpu.memory_space<vmem_shared>>) offsets(%dma_start3A_157 : memref<80xi32, #tpu.memory_space<vmem>>) semaphore(%arg24 : memref<!tpu.dma_semaphore, #tpu.memory_space<semaphore_mem>>) {add = true}
      %dma_wait3A_161 = arith.constant 1 : i32
      %dma_wait3A_162 = arith.constant 0 : i32
      %dma_wait3A_163 = tpu.memref_slice %arg7[%dma_wait3A_161, %dma_wait3A_162] : memref<2x80xi32, #tpu.memory_space<vmem>> -> memref<1x80xi32, #tpu.memory_space<vmem>>
      %dma_wait3A_164 = tpu.memref_squeeze %dma_wait3A_163 : memref<1x80xi32, #tpu.memory_space<vmem>> -> memref<80xi32, #tpu.memory_space<vmem>>
      %dma_wait3A_165 = arith.constant 0 : i32
      %dma_wait3A_166 = arith.constant 0 : i32
      %dma_wait3A_167 = tpu.memref_slice %arg14[%dma_wait3A_165, %dma_wait3A_166] : memref<10000x128xf32, #tpu.memory_space<vmem_shared>> -> memref<10000x128xf32, #tpu.memory_space<vmem_shared>>
      tpu.wait_indirect_dma semaphore(%arg24 : memref<!tpu.dma_semaphore, #tpu.memory_space<semaphore_mem>>) src(%arg12 : memref<80x128xf32, #tpu.memory_space<vmem>>) dst(%dma_wait3A_167 : memref<10000x128xf32, #tpu.memory_space<vmem_shared>>)
      %dma_wait3A_168 = arith.constant 0 : i32
      %dma_wait3A_169 = arith.constant 0 : i32
      %dma_wait3A_170 = tpu.memref_slice %arg3[%add3A_58, %dma_wait3A_168, %dma_wait3A_169] : memref<4000x2x80xi32, #tpu.memory_space<hbm>> -> memref<1x2x80xi32, #tpu.memory_space<hbm>>
      %dma_wait3A_171 = tpu.memref_squeeze %dma_wait3A_170 : memref<1x2x80xi32, #tpu.memory_space<hbm>> -> memref<2x80xi32, #tpu.memory_space<hbm>>
      %dma_wait3A_172 = arith.constant 0 : i32
      %dma_wait3A_173 = arith.constant 0 : i32
      %dma_wait3A_174 = tpu.memref_slice %arg3[%add3A_58, %dma_wait3A_172, %dma_wait3A_173] : memref<4000x2x80xi32, #tpu.memory_space<hbm>> -> memref<1x2x80xi32, #tpu.memory_space<hbm>>
      %dma_wait3A_175 = tpu.memref_squeeze %dma_wait3A_174 : memref<1x2x80xi32, #tpu.memory_space<hbm>> -> memref<2x80xi32, #tpu.memory_space<hbm>>
      tpu.wait_dma2 semaphore(%arg19 : memref<!tpu.dma_semaphore, #tpu.memory_space<semaphore_mem>>) src(%dma_wait3A_175 : memref<2x80xi32, #tpu.memory_space<hbm>>) dst(%arg10 : memref<2x80xi32, #tpu.memory_space<vmem>>)
      %dma_start3A_176 = arith.constant 0 : i32
      %dma_start3A_177 = arith.constant 0 : i32
      %dma_start3A_178 = tpu.memref_slice %arg10[%dma_start3A_176, %dma_start3A_177] : memref<2x80xi32, #tpu.memory_space<vmem>> -> memref<1x80xi32, #tpu.memory_space<vmem>>
      %dma_start3A_179 = tpu.memref_squeeze %dma_start3A_178 : memref<1x80xi32, #tpu.memory_space<vmem>> -> memref<80xi32, #tpu.memory_space<vmem>>
      %dma_start3A_180 = arith.constant 0 : i32
      %dma_start3A_181 = arith.constant 0 : i32
      %dma_start3A_182 = tpu.memref_slice %arg2[%dma_start3A_180, %dma_start3A_181] : memref<10000x128xf32, #tpu.memory_space<hbm>> -> memref<10000x128xf32, #tpu.memory_space<hbm>>
      tpu.enqueue_indirect_dma source(%dma_start3A_182 : memref<10000x128xf32, #tpu.memory_space<hbm>>) target(%arg12 : memref<80x128xf32, #tpu.memory_space<vmem>>) offsets(%dma_start3A_179 : memref<80xi32, #tpu.memory_space<vmem>>) semaphore(%arg21 : memref<!tpu.dma_semaphore, #tpu.memory_space<semaphore_mem>>)
      %dma_wait3A_183 = arith.constant 0 : i32
      %dma_wait3A_184 = arith.constant 0 : i32
      %dma_wait3A_185 = tpu.memref_slice %arg8[%dma_wait3A_183, %dma_wait3A_184] : memref<2x80xi32, #tpu.memory_space<vmem>> -> memref<1x80xi32, #tpu.memory_space<vmem>>
      %dma_wait3A_186 = tpu.memref_squeeze %dma_wait3A_185 : memref<1x80xi32, #tpu.memory_space<vmem>> -> memref<80xi32, #tpu.memory_space<vmem>>
      %dma_wait3A_187 = arith.constant 0 : i32
      %dma_wait3A_188 = arith.constant 0 : i32
      %dma_wait3A_189 = tpu.memref_slice %arg2[%dma_wait3A_187, %dma_wait3A_188] : memref<10000x128xf32, #tpu.memory_space<hbm>> -> memref<10000x128xf32, #tpu.memory_space<hbm>>
      tpu.wait_indirect_dma semaphore(%arg22 : memref<!tpu.dma_semaphore, #tpu.memory_space<semaphore_mem>>) src(%dma_wait3A_189 : memref<10000x128xf32, #tpu.memory_space<hbm>>) dst(%arg13 : memref<80x128xf32, #tpu.memory_space<vmem>>)
      %dma_start3A_190 = arith.constant 1 : i32
      %dma_start3A_191 = arith.constant 0 : i32
      %dma_start3A_192 = tpu.memref_slice %arg8[%dma_start3A_190, %dma_start3A_191] : memref<2x80xi32, #tpu.memory_space<vmem>> -> memref<1x80xi32, #tpu.memory_space<vmem>>
      %dma_start3A_193 = tpu.memref_squeeze %dma_start3A_192 : memref<1x80xi32, #tpu.memory_space<vmem>> -> memref<80xi32, #tpu.memory_space<vmem>>
      %dma_start3A_194 = arith.constant 0 : i32
      %dma_start3A_195 = arith.constant 0 : i32
      %dma_start3A_196 = tpu.memref_slice %arg14[%dma_start3A_194, %dma_start3A_195] : memref<10000x128xf32, #tpu.memory_space<vmem_shared>> -> memref<10000x128xf32, #tpu.memory_space<vmem_shared>>
      tpu.enqueue_indirect_dma source(%arg13 : memref<80x128xf32, #tpu.memory_space<vmem>>) target(%dma_start3A_196 : memref<10000x128xf32, #tpu.memory_space<vmem_shared>>) offsets(%dma_start3A_193 : memref<80xi32, #tpu.memory_space<vmem>>) semaphore(%arg25 : memref<!tpu.dma_semaphore, #tpu.memory_space<semaphore_mem>>) {add = true}
      %dma_wait3A_197 = arith.constant 0 : i32
      %dma_wait3A_198 = arith.constant 0 : i32
      %dma_wait3A_199 = tpu.memref_slice %arg9[%dma_wait3A_197, %dma_wait3A_198] : memref<2x80xi32, #tpu.memory_space<vmem>> -> memref<1x80xi32, #tpu.memory_space<vmem>>
      %dma_wait3A_200 = tpu.memref_squeeze %dma_wait3A_199 : memref<1x80xi32, #tpu.memory_space<vmem>> -> memref<80xi32, #tpu.memory_space<vmem>>
      %dma_wait3A_201 = arith.constant 0 : i32
      %dma_wait3A_202 = arith.constant 0 : i32
      %dma_wait3A_203 = tpu.memref_slice %arg2[%dma_wait3A_201, %dma_wait3A_202] : memref<10000x128xf32, #tpu.memory_space<hbm>> -> memref<10000x128xf32, #tpu.memory_space<hbm>>
      tpu.wait_indirect_dma semaphore(%arg20 : memref<!tpu.dma_semaphore, #tpu.memory_space<semaphore_mem>>) src(%dma_wait3A_203 : memref<10000x128xf32, #tpu.memory_space<hbm>>) dst(%arg11 : memref<80x128xf32, #tpu.memory_space<vmem>>)
      %dma_start3A_204 = arith.constant 1 : i32
      %dma_start3A_205 = arith.constant 0 : i32
      %dma_start3A_206 = tpu.memref_slice %arg9[%dma_start3A_204, %dma_start3A_205] : memref<2x80xi32, #tpu.memory_space<vmem>> -> memref<1x80xi32, #tpu.memory_space<vmem>>
      %dma_start3A_207 = tpu.memref_squeeze %dma_start3A_206 : memref<1x80xi32, #tpu.memory_space<vmem>> -> memref<80xi32, #tpu.memory_space<vmem>>
      %dma_start3A_208 = arith.constant 0 : i32
      %dma_start3A_209 = arith.constant 0 : i32
      %dma_start3A_210 = tpu.memref_slice %arg14[%dma_start3A_208, %dma_start3A_209] : memref<10000x128xf32, #tpu.memory_space<vmem_shared>> -> memref<10000x128xf32, #tpu.memory_space<vmem_shared>>
      tpu.enqueue_indirect_dma source(%arg11 : memref<80x128xf32, #tpu.memory_space<vmem>>) target(%dma_start3A_210 : memref<10000x128xf32, #tpu.memory_space<vmem_shared>>) offsets(%dma_start3A_207 : memref<80xi32, #tpu.memory_space<vmem>>) semaphore(%arg23 : memref<!tpu.dma_semaphore, #tpu.memory_space<semaphore_mem>>) {add = true}
      %dma_wait3A_211 = arith.constant 0 : i32
      %dma_wait3A_212 = arith.constant 0 : i32
      %dma_wait3A_213 = tpu.memref_slice %arg10[%dma_wait3A_211, %dma_wait3A_212] : memref<2x80xi32, #tpu.memory_space<vmem>> -> memref<1x80xi32, #tpu.memory_space<vmem>>
      %dma_wait3A_214 = tpu.memref_squeeze %dma_wait3A_213 : memref<1x80xi32, #tpu.memory_space<vmem>> -> memref<80xi32, #tpu.memory_space<vmem>>
      %dma_wait3A_215 = arith.constant 0 : i32
      %dma_wait3A_216 = arith.constant 0 : i32
      %dma_wait3A_217 = tpu.memref_slice %arg2[%dma_wait3A_215, %dma_wait3A_216] : memref<10000x128xf32, #tpu.memory_space<hbm>> -> memref<10000x128xf32, #tpu.memory_space<hbm>>
      tpu.wait_indirect_dma semaphore(%arg21 : memref<!tpu.dma_semaphore, #tpu.memory_space<semaphore_mem>>) src(%dma_wait3A_217 : memref<10000x128xf32, #tpu.memory_space<hbm>>) dst(%arg12 : memref<80x128xf32, #tpu.memory_space<vmem>>)
      %dma_start3A_218 = arith.constant 1 : i32
      %dma_start3A_219 = arith.constant 0 : i32
      %dma_start3A_220 = tpu.memref_slice %arg10[%dma_start3A_218, %dma_start3A_219] : memref<2x80xi32, #tpu.memory_space<vmem>> -> memref<1x80xi32, #tpu.memory_space<vmem>>
      %dma_start3A_221 = tpu.memref_squeeze %dma_start3A_220 : memref<1x80xi32, #tpu.memory_space<vmem>> -> memref<80xi32, #tpu.memory_space<vmem>>
      %dma_start3A_222 = arith.constant 0 : i32
      %dma_start3A_223 = arith.constant 0 : i32
      %dma_start3A_224 = tpu.memref_slice %arg14[%dma_start3A_222, %dma_start3A_223] : memref<10000x128xf32, #tpu.memory_space<vmem_shared>> -> memref<10000x128xf32, #tpu.memory_space<vmem_shared>>
      tpu.enqueue_indirect_dma source(%arg12 : memref<80x128xf32, #tpu.memory_space<vmem>>) target(%dma_start3A_224 : memref<10000x128xf32, #tpu.memory_space<vmem_shared>>) offsets(%dma_start3A_221 : memref<80xi32, #tpu.memory_space<vmem>>) semaphore(%arg24 : memref<!tpu.dma_semaphore, #tpu.memory_space<semaphore_mem>>) {add = true}
      %dma_wait3A_225 = arith.constant 1 : i32
      %dma_wait3A_226 = arith.constant 0 : i32
      %dma_wait3A_227 = tpu.memref_slice %arg8[%dma_wait3A_225, %dma_wait3A_226] : memref<2x80xi32, #tpu.memory_space<vmem>> -> memref<1x80xi32, #tpu.memory_space<vmem>>
      %dma_wait3A_228 = tpu.memref_squeeze %dma_wait3A_227 : memref<1x80xi32, #tpu.memory_space<vmem>> -> memref<80xi32, #tpu.memory_space<vmem>>
      %dma_wait3A_229 = arith.constant 0 : i32
      %dma_wait3A_230 = arith.constant 0 : i32
      %dma_wait3A_231 = tpu.memref_slice %arg14[%dma_wait3A_229, %dma_wait3A_230] : memref<10000x128xf32, #tpu.memory_space<vmem_shared>> -> memref<10000x128xf32, #tpu.memory_space<vmem_shared>>
      tpu.wait_indirect_dma semaphore(%arg25 : memref<!tpu.dma_semaphore, #tpu.memory_space<semaphore_mem>>) src(%arg13 : memref<80x128xf32, #tpu.memory_space<vmem>>) dst(%dma_wait3A_231 : memref<10000x128xf32, #tpu.memory_space<vmem_shared>>)
      %dma_wait3A_232 = arith.constant 1 : i32
      %dma_wait3A_233 = arith.constant 0 : i32
      %dma_wait3A_234 = tpu.memref_slice %arg9[%dma_wait3A_232, %dma_wait3A_233] : memref<2x80xi32, #tpu.memory_space<vmem>> -> memref<1x80xi32, #tpu.memory_space<vmem>>
      %dma_wait3A_235 = tpu.memref_squeeze %dma_wait3A_234 : memref<1x80xi32, #tpu.memory_space<vmem>> -> memref<80xi32, #tpu.memory_space<vmem>>
      %dma_wait3A_236 = arith.constant 0 : i32
      %dma_wait3A_237 = arith.constant 0 : i32
      %dma_wait3A_238 = tpu.memref_slice %arg14[%dma_wait3A_236, %dma_wait3A_237] : memref<10000x128xf32, #tpu.memory_space<vmem_shared>> -> memref<10000x128xf32, #tpu.memory_space<vmem_shared>>
      tpu.wait_indirect_dma semaphore(%arg23 : memref<!tpu.dma_semaphore, #tpu.memory_space<semaphore_mem>>) src(%arg11 : memref<80x128xf32, #tpu.memory_space<vmem>>) dst(%dma_wait3A_238 : memref<10000x128xf32, #tpu.memory_space<vmem_shared>>)
      %dma_wait3A_239 = arith.constant 1 : i32
      %dma_wait3A_240 = arith.constant 0 : i32
      %dma_wait3A_241 = tpu.memref_slice %arg10[%dma_wait3A_239, %dma_wait3A_240] : memref<2x80xi32, #tpu.memory_space<vmem>> -> memref<1x80xi32, #tpu.memory_space<vmem>>
      %dma_wait3A_242 = tpu.memref_squeeze %dma_wait3A_241 : memref<1x80xi32, #tpu.memory_space<vmem>> -> memref<80xi32, #tpu.memory_space<vmem>>
      %dma_wait3A_243 = arith.constant 0 : i32
      %dma_wait3A_244 = arith.constant 0 : i32
      %dma_wait3A_245 = tpu.memref_slice %arg14[%dma_wait3A_243, %dma_wait3A_244] : memref<10000x128xf32, #tpu.memory_space<vmem_shared>> -> memref<10000x128xf32, #tpu.memory_space<vmem_shared>>
      tpu.wait_indirect_dma semaphore(%arg24 : memref<!tpu.dma_semaphore, #tpu.memory_space<semaphore_mem>>) src(%arg12 : memref<80x128xf32, #tpu.memory_space<vmem>>) dst(%dma_wait3A_245 : memref<10000x128xf32, #tpu.memory_space<vmem_shared>>)
    }
    %scan3A_8 = arith.constant 25 : i32
    %barrier3A_9 = arith.constant 0 : index
    tpu.barrier barrier_id(%barrier3A_9)
    "tpu.region"() ({
      %run_scoped3A = tpu.sem_alloc : memref<!tpu.dma_semaphore, #tpu.memory_space<semaphore_mem>>
      %dma_start3A = arith.constant 0 : i32
      %dma_start3A_10 = tpu.memref_slice %arg5[%arg0, %multiple_of3A, %dma_start3A] : memref<2x10000x128xf32, #tpu.memory_space<hbm>> -> memref<1x640x128xf32, #tpu.memory_space<hbm>>
      %dma_start3A_11 = tpu.memref_squeeze %dma_start3A_10 : memref<1x640x128xf32, #tpu.memory_space<hbm>> -> memref<640x128xf32, #tpu.memory_space<hbm>>
      %dma_start3A_12 = arith.constant 0 : i32
      %dma_start3A_13 = tpu.memref_slice %arg14[%multiple_of3A, %dma_start3A_12] : memref<10000x128xf32, #tpu.memory_space<vmem_shared>> -> memref<640x128xf32, #tpu.memory_space<vmem_shared>>
      tpu.enqueue_dma source(%dma_start3A_13 : memref<640x128xf32, #tpu.memory_space<vmem_shared>>) target(%dma_start3A_11 : memref<640x128xf32, #tpu.memory_space<hbm>>) target_semaphore(%run_scoped3A : memref<!tpu.dma_semaphore, #tpu.memory_space<semaphore_mem>>)
      %dma_wait3A = arith.constant 0 : i32
      %dma_wait3A_14 = tpu.memref_slice %arg5[%arg0, %multiple_of3A, %dma_wait3A] : memref<2x10000x128xf32, #tpu.memory_space<hbm>> -> memref<1x640x128xf32, #tpu.memory_space<hbm>>
      %dma_wait3A_15 = tpu.memref_squeeze %dma_wait3A_14 : memref<1x640x128xf32, #tpu.memory_space<hbm>> -> memref<640x128xf32, #tpu.memory_space<hbm>>
      %dma_wait3A_16 = arith.constant 0 : i32
      %dma_wait3A_17 = tpu.memref_slice %arg14[%multiple_of3A, %dma_wait3A_16] : memref<10000x128xf32, #tpu.memory_space<vmem_shared>> -> memref<640x128xf32, #tpu.memory_space<vmem_shared>>
      tpu.wait_dma2 semaphore(%run_scoped3A : memref<!tpu.dma_semaphore, #tpu.memory_space<semaphore_mem>>) src(%dma_wait3A_17 : memref<640x128xf32, #tpu.memory_space<vmem_shared>>) dst(%dma_wait3A_15 : memref<640x128xf32, #tpu.memory_space<hbm>>)
      tpu.yield
    }) : () -> ()
    return
  }
}

module attributes {stable_mosaic.version = 14 : i64} {
  func.func @_mlp_body(%arg0: i32, %arg1: memref<1000x128xf32, #tpu.memory_space<vmem>>, %arg2: memref<128x128xf32, #tpu.memory_space<vmem>>, %arg3: memref<1x128xf32, #tpu.memory_space<vmem>>, %arg4: memref<1000x128xf32, #tpu.memory_space<vmem>>) attributes {dimension_semantics = [#tpu.dimension_semantics<arbitrary>], iteration_bounds = array<i64: 10>, scalar_prefetch = 0 : i64, scratch_operands = 0 : i64, tpu.core_type = #tpu.core_type<tc>, window_params = [{transform_indices = @transform_0, window_bounds = array<i64: 1000, 128>}, {pipeline_mode = #tpu.pipeline_mode<synchronous>, transform_indices = @transform_1, window_bounds = array<i64: 128, 128>}, {pipeline_mode = #tpu.pipeline_mode<synchronous>, transform_indices = @transform_2, window_bounds = array<i64: 1, 128>}, {transform_indices = @transform_3, window_bounds = array<i64: 1000, 128>}]} {
    %get3A = arith.constant 0 : index
    %get3A_0 = arith.constant 0 : index
    %get3A_1 = vector.load %arg1[%get3A, %get3A_0] : memref<1000x128xf32, #tpu.memory_space<vmem>>, vector<1000x128xf32>
    %get3A_2 = arith.constant 0 : index
    %get3A_3 = arith.constant 0 : index
    %get3A_4 = vector.load %arg2[%get3A_2, %get3A_3] : memref<128x128xf32, #tpu.memory_space<vmem>>, vector<128x128xf32>
    %dot_general3A = arith.constant dense<0.000000e+00> : vector<1000x128xf32>
    %dot_general3A_5 = tpu.matmul %get3A_1, %get3A_4, %dot_general3A {dimension_numbers = #tpu.dot_dimension_numbers<[1], [0], [0], [1], [0, 0, 1, 1], [], []>, precision = #tpu.contract_precision<fp32>, transpose_lhs_hint = false} : vector<1000x128xf32>, vector<128x128xf32>, vector<1000x128xf32> -> vector<1000x128xf32>
    %get3A_6 = arith.constant 0 : index
    %get3A_7 = arith.constant 0 : index
    %get3A_8 = vector.load %arg3[%get3A_6, %get3A_7] : memref<1x128xf32, #tpu.memory_space<vmem>>, vector<1x128xf32>
    %add3A = vector.broadcast %get3A_8 : vector<1x128xf32> to vector<1000x128xf32>
    %add3A_9 = arith.addf %dot_general3A_5, %add3A : vector<1000x128xf32>
    %max3A = arith.constant 0.000000e+00 : f32
    %max3A_10 = vector.broadcast %max3A : f32 to vector<1000x128xf32>
    %max3A_11 = arith.maximumf %add3A_9, %max3A_10 : vector<1000x128xf32>
    %mul3A = arith.mulf %max3A_11, %max3A_11 : vector<1000x128xf32>
    %reduce_sum3A = arith.constant dense<0.000000e+00> : vector<1000xf32>
    %reduce_sum3A_12 = vector.multi_reduction <add>, %mul3A, %reduce_sum3A [1] : vector<1000x128xf32> to vector<1000xf32>
    %broadcast_in_dim3A = vector.shape_cast %reduce_sum3A_12 : vector<1000xf32> to vector<1000x1xf32>
    %sqrt3A = math.sqrt %broadcast_in_dim3A : vector<1000x1xf32>
    %max3A_13 = arith.constant 9.99999996E-13 : f32
    %max3A_14 = vector.broadcast %max3A_13 : f32 to vector<1000x1xf32>
    %max3A_15 = arith.maximumf %sqrt3A, %max3A_14 : vector<1000x1xf32>
    %div3A = vector.broadcast %max3A_15 : vector<1000x1xf32> to vector<1000x128xf32>
    %div3A_16 = arith.divf %max3A_11, %div3A : vector<1000x128xf32>
    %swap3A = arith.constant 0 : index
    %swap3A_17 = arith.constant 0 : index
    %swap3A_18 = vector.load %arg4[%swap3A, %swap3A_17] : memref<1000x128xf32, #tpu.memory_space<vmem>>, vector<1000x128xf32>
    tpu.vector_store %arg4[%swap3A, %swap3A_17], %div3A_16 {strides = array<i32>} : memref<1000x128xf32, #tpu.memory_space<vmem>>, vector<1000x128xf32>,
    return
  }
  func.func @transform_0(%arg0: i32) -> (i32, i32) {
    %c0_i32 = arith.constant 0 : i32
    %c0_i32_0 = arith.constant 0 : i32
    return %arg0, %c0_i32 : i32, i32
  }
  func.func @transform_1(%arg0: i32) -> (i32, i32) {
    %c0_i32 = arith.constant 0 : i32
    %c0_i32_0 = arith.constant 0 : i32
    %c0_i32_1 = arith.constant 0 : i32
    return %c0_i32, %c0_i32_0 : i32, i32
  }
  func.func @transform_2(%arg0: i32) -> (i32, i32) {
    %c0_i32 = arith.constant 0 : i32
    %c0_i32_0 = arith.constant 0 : i32
    %c0_i32_1 = arith.constant 0 : i32
    return %c0_i32, %c0_i32_0 : i32, i32
  }
  func.func @transform_3(%arg0: i32) -> (i32, i32) {
    %c0_i32 = arith.constant 0 : i32
    %c0_i32_0 = arith.constant 0 : i32
    return %arg0, %c0_i32 : i32, i32
  }
}

module attributes {stable_mosaic.version = 14 : i64} {
  func.func @_c1_body(%arg0: i32, %arg1: memref<2x10000x128xf32, #tpu.memory_space<vmem>>, %arg2: memref<32x8x10000xf32, #tpu.memory_space<vmem>>, %arg3: memref<10000x128xf32, #tpu.memory_space<vmem>>) attributes {dimension_semantics = [#tpu.dimension_semantics<arbitrary>], iteration_bounds = array<i64: 1>, scalar_prefetch = 0 : i64, scratch_operands = 0 : i64, tpu.core_type = #tpu.core_type<tc>, window_params = [{pipeline_mode = #tpu.pipeline_mode<synchronous>, transform_indices = @transform_0, window_bounds = array<i64: 2, 10000, 128>}, {pipeline_mode = #tpu.pipeline_mode<synchronous>, transform_indices = @transform_1, window_bounds = array<i64: 32, 8, 10000>}, {pipeline_mode = #tpu.pipeline_mode<synchronous>, transform_indices = @transform_2, window_bounds = array<i64: 10000, 128>}]} {
    %get3A = arith.constant 0 : index
    %get3A_0 = arith.constant 0 : index
    %get3A_1 = arith.constant 0 : index
    %get3A_2 = vector.load %arg1[%get3A, %get3A_0, %get3A_1] : memref<2x10000x128xf32, #tpu.memory_space<vmem>>, vector<1x10000x128xf32>
    %get3A_3 = vector.shape_cast %get3A_2 : vector<1x10000x128xf32> to vector<10000x128xf32>
    %get3A_4 = arith.constant 1 : index
    %get3A_5 = arith.constant 0 : index
    %get3A_6 = arith.constant 0 : index
    %get3A_7 = vector.load %arg1[%get3A_4, %get3A_5, %get3A_6] : memref<2x10000x128xf32, #tpu.memory_space<vmem>>, vector<1x10000x128xf32>
    %get3A_8 = vector.shape_cast %get3A_7 : vector<1x10000x128xf32> to vector<10000x128xf32>
    %add3A = arith.addf %get3A_3, %get3A_8 : vector<10000x128xf32>
    %get3A_9 = arith.constant 0 : index
    %get3A_10 = arith.constant 0 : index
    %get3A_11 = arith.constant 0 : index
    %get3A_12 = vector.load %arg2[%get3A_9, %get3A_10, %get3A_11] : memref<32x8x10000xf32, #tpu.memory_space<vmem>>, vector<32x1x10000xf32>
    %get3A_13 = vector.shape_cast %get3A_12 : vector<32x1x10000xf32> to vector<32x10000xf32>
    %reduce_sum3A = arith.constant dense<0.000000e+00> : vector<10000xf32>
    %reduce_sum3A_14 = vector.multi_reduction <add>, %get3A_13, %reduce_sum3A [0] : vector<32x10000xf32> to vector<10000xf32>
    %max3A = arith.constant 1.000000e+00 : f32
    %max3A_15 = vector.broadcast %max3A : f32 to vector<10000xf32>
    %max3A_16 = arith.maximumf %reduce_sum3A_14, %max3A_15 : vector<10000xf32>
    %broadcast_in_dim3A = vector.shape_cast %max3A_16 : vector<10000xf32> to vector<10000x1xf32>
    %div3A = vector.broadcast %broadcast_in_dim3A : vector<10000x1xf32> to vector<10000x128xf32>
    %div3A_17 = arith.divf %add3A, %div3A : vector<10000x128xf32>
    %swap3A = arith.constant 0 : index
    %swap3A_18 = arith.constant 0 : index
    %swap3A_19 = vector.load %arg3[%swap3A, %swap3A_18] : memref<10000x128xf32, #tpu.memory_space<vmem>>, vector<10000x128xf32>
    tpu.vector_store %arg3[%swap3A, %swap3A_18], %div3A_17 {strides = array<i32>} : memref<10000x128xf32, #tpu.memory_space<vmem>>, vector<10000x128xf32>,
    return
  }
  func.func @transform_0(%arg0: i32) -> (i32, i32, i32) {
    %c0_i32 = arith.constant 0 : i32
    %c0_i32_0 = arith.constant 0 : i32
    %c0_i32_1 = arith.constant 0 : i32
    %c0_i32_2 = arith.constant 0 : i32
    return %c0_i32, %c0_i32_0, %c0_i32_1 : i32, i32, i32
  }
  func.func @transform_1(%arg0: i32) -> (i32, i32, i32) {
    %c0_i32 = arith.constant 0 : i32
    %c0_i32_0 = arith.constant 0 : i32
    %c0_i32_1 = arith.constant 0 : i32
    %c0_i32_2 = arith.constant 0 : i32
    return %c0_i32, %c0_i32_0, %c0_i32_1 : i32, i32, i32
  }
  func.func @transform_2(%arg0: i32) -> (i32, i32) {
    %c0_i32 = arith.constant 0 : i32
    %c0_i32_0 = arith.constant 0 : i32
    %c0_i32_1 = arith.constant 0 : i32
    return %c0_i32, %c0_i32_0 : i32, i32
  }
}

module attributes {stable_mosaic.version = 14 : i64} {
  func.func @_c2_body(%arg0: i32, %arg1: memref<10000x128xf32, #tpu.memory_space<vmem>>, %arg2: memref<2x10000x128xf32, #tpu.memory_space<vmem>>, %arg3: memref<32x8x10000xf32, #tpu.memory_space<vmem>>, %arg4: memref<10000x128xf32, #tpu.memory_space<vmem>>) attributes {dimension_semantics = [#tpu.dimension_semantics<arbitrary>], iteration_bounds = array<i64: 1>, scalar_prefetch = 0 : i64, scratch_operands = 0 : i64, tpu.core_type = #tpu.core_type<tc>, window_params = [{pipeline_mode = #tpu.pipeline_mode<synchronous>, transform_indices = @transform_0, window_bounds = array<i64: 10000, 128>}, {pipeline_mode = #tpu.pipeline_mode<synchronous>, transform_indices = @transform_1, window_bounds = array<i64: 2, 10000, 128>}, {pipeline_mode = #tpu.pipeline_mode<synchronous>, transform_indices = @transform_2, window_bounds = array<i64: 32, 8, 10000>}, {pipeline_mode = #tpu.pipeline_mode<synchronous>, transform_indices = @transform_3, window_bounds = array<i64: 10000, 128>}]} {
    %get3A = arith.constant 0 : index
    %get3A_0 = arith.constant 0 : index
    %get3A_1 = arith.constant 0 : index
    %get3A_2 = vector.load %arg2[%get3A, %get3A_0, %get3A_1] : memref<2x10000x128xf32, #tpu.memory_space<vmem>>, vector<1x10000x128xf32>
    %get3A_3 = vector.shape_cast %get3A_2 : vector<1x10000x128xf32> to vector<10000x128xf32>
    %get3A_4 = arith.constant 1 : index
    %get3A_5 = arith.constant 0 : index
    %get3A_6 = arith.constant 0 : index
    %get3A_7 = vector.load %arg2[%get3A_4, %get3A_5, %get3A_6] : memref<2x10000x128xf32, #tpu.memory_space<vmem>>, vector<1x10000x128xf32>
    %get3A_8 = vector.shape_cast %get3A_7 : vector<1x10000x128xf32> to vector<10000x128xf32>
    %add3A = arith.addf %get3A_3, %get3A_8 : vector<10000x128xf32>
    %get3A_9 = arith.constant 0 : index
    %get3A_10 = arith.constant 0 : index
    %get3A_11 = arith.constant 0 : index
    %get3A_12 = vector.load %arg3[%get3A_9, %get3A_10, %get3A_11] : memref<32x8x10000xf32, #tpu.memory_space<vmem>>, vector<32x1x10000xf32>
    %get3A_13 = vector.shape_cast %get3A_12 : vector<32x1x10000xf32> to vector<32x10000xf32>
    %reduce_sum3A = arith.constant dense<0.000000e+00> : vector<10000xf32>
    %reduce_sum3A_14 = vector.multi_reduction <add>, %get3A_13, %reduce_sum3A [0] : vector<32x10000xf32> to vector<10000xf32>
    %max3A = arith.constant 1.000000e+00 : f32
    %max3A_15 = vector.broadcast %max3A : f32 to vector<10000xf32>
    %max3A_16 = arith.maximumf %reduce_sum3A_14, %max3A_15 : vector<10000xf32>
    %broadcast_in_dim3A = vector.shape_cast %max3A_16 : vector<10000xf32> to vector<10000x1xf32>
    %div3A = vector.broadcast %broadcast_in_dim3A : vector<10000x1xf32> to vector<10000x128xf32>
    %div3A_17 = arith.divf %add3A, %div3A : vector<10000x128xf32>
    %get3A_18 = arith.constant 0 : index
    %get3A_19 = arith.constant 0 : index
    %get3A_20 = vector.load %arg1[%get3A_18, %get3A_19] : memref<10000x128xf32, #tpu.memory_space<vmem>>, vector<10000x128xf32>
    %mul3A = arith.constant 5.000000e-01 : f32
    %mul3A_21 = vector.broadcast %mul3A : f32 to vector<10000x128xf32>
    %mul3A_22 = arith.mulf %mul3A_21, %get3A_20 : vector<10000x128xf32>
    %mul3A_23 = arith.constant 5.000000e-01 : f32
    %mul3A_24 = vector.broadcast %mul3A_23 : f32 to vector<10000x128xf32>
    %mul3A_25 = arith.mulf %mul3A_24, %div3A_17 : vector<10000x128xf32>
    %add3A_26 = arith.addf %mul3A_22, %mul3A_25 : vector<10000x128xf32>
    %swap3A = arith.constant 0 : index
    %swap3A_27 = arith.constant 0 : index
    %swap3A_28 = vector.load %arg4[%swap3A, %swap3A_27] : memref<10000x128xf32, #tpu.memory_space<vmem>>, vector<10000x128xf32>
    tpu.vector_store %arg4[%swap3A, %swap3A_27], %add3A_26 {strides = array<i32>} : memref<10000x128xf32, #tpu.memory_space<vmem>>, vector<10000x128xf32>,
    return
  }
  func.func @transform_0(%arg0: i32) -> (i32, i32) {
    %c0_i32 = arith.constant 0 : i32
    %c0_i32_0 = arith.constant 0 : i32
    %c0_i32_1 = arith.constant 0 : i32
    return %c0_i32, %c0_i32_0 : i32, i32
  }
  func.func @transform_1(%arg0: i32) -> (i32, i32, i32) {
    %c0_i32 = arith.constant 0 : i32
    %c0_i32_0 = arith.constant 0 : i32
    %c0_i32_1 = arith.constant 0 : i32
    %c0_i32_2 = arith.constant 0 : i32
    return %c0_i32, %c0_i32_0, %c0_i32_1 : i32, i32, i32
  }
  func.func @transform_2(%arg0: i32) -> (i32, i32, i32) {
    %c0_i32 = arith.constant 0 : i32
    %c0_i32_0 = arith.constant 0 : i32
    %c0_i32_1 = arith.constant 0 : i32
    %c0_i32_2 = arith.constant 0 : i32
    return %c0_i32, %c0_i32_0, %c0_i32_1 : i32, i32, i32
  }
  func.func @transform_3(%arg0: i32) -> (i32, i32) {
    %c0_i32 = arith.constant 0 : i32
    %c0_i32_0 = arith.constant 0 : i32
    %c0_i32_1 = arith.constant 0 : i32
    return %c0_i32, %c0_i32_0 : i32, i32
  }
}

</mosaic_0001>

<sc_bundles>
// kernel: kernel.10.cloned.1.call-start
scs
__scs_entry_jumppad:
0x0: {  	(pc) =	sbr.rel $0x88, $3  }
0x1: {  	(tag) =	ssettag $0x0;
	lr =	simm.s32 $0x1  }
0x2: {  	[smem:$0x3F9D] =	sst lr;
	_ =	strace $0xD0000000  }
0x3: {  	_ = 	snop  }
0x4: {  	_ = 	snop  }
0x5: {  	_ = 	snop  }
0x6: {  	_ = 	snop  }
0x7: {  	_ = 	snop  }
__scs_overlays_trampoline_lowered:
0x8: {  	[smem:$0x3FAC] =	sst s0  }
0x9: {  	[smem:$0x3FAD] =	sst s1  }
0xa: {  	[smem:$0x3FAE] =	sst s2  }
0xb: {  	[smem:$0x3FAF] =	sst s3  }
0xc: {  	[smem:$0x3FB0] =	sst s4  }
0xd: {  	[smem:$0x3FB1] =	sst s5  }
0xe: {  	[smem:$0x3FB2] =	sst s6  }
0xf: {  	[smem:$0x3FB3] =	sst s7  }
0x10: {  	[smem:$0x3FB4] =	sst s8  }
0x11: {  	[smem:$0x3FB5] =	sst s9;
	s0 =	simm.s32 @!p0 $0x0  }
0x12: {  	s1 =	sld [smem:$0x3F9B];
	s0 =	simm.s32 @p0 $0x1  }
0x13: {  	[smem:$0x3FB6] =	sst s0;
	s0 =	simm.s32 @!p1 $0x0  }
0x14: {  	s2 =	sld [smem:$0x3F9A];
	s0 =	simm.s32 @p1 $0x1  }
0x15: {  	[smem:$0x3FB7] =	sst s0;
	s0 =	simm.s32 @!p2 $0x0  }
0x16: {  	s3 =	sld [smem:$0x3FDB];
	s0 =	simm.s32 @p2 $0x1  }
0x17: {  	s4 =	simm.s32 $0x1BF5;
	[smem:$0x3FB9] =	sst s0  }
0x18: {  	s0 =	sld [smem:$0x3F9C];
	_ =	swait.ge [sflag:s4], $0x0  }
0x19: {  	s7 =	sld [smem:$0x3F9D]  }
0x1a: {  	s8 =	sadd.s32 $0xFFFFE003, lr  }
0x1b: {  	s9 =	sadd.s32 $0xFFFFFEF7, lr;
	s5 =	simm.s32 $0xFFFFFFFF;
	p2 =	slt.u32 s8, $0xFFFFF086  }
0x1c: {  	p1 =	slt.u32 s9, $0xF7A;
	s5 =	simm.s32 @!p2 $0x0  }
0x1d: {  	s5 =	simm.s32 @p1 $0x1;
	p0 =	seq.s32 s7, s2  }
0x1e: {  	s7 =	smul.u32 @!p0 $0xF7A, s2;
	p2 =	seq.s32 @!p0 s5, $0x0  }
0x1f: {  	s9 =	smul.u32 $0xF7A, s1;
	s8 =	simm.s32 @!p0 $0x1BF5;
	p2 =	por !p2, p0  }
0x20: {  	[sflag:s8] =	ssyncset.s32 @!p0 $0xFFFFF086;
	s6 =	sadd.s32 @!p0 s3, s7;
	s7 =	simm.s32 @!p0 $0x108  }
0x21: {  	s3 =	sadd.s32 s3, s9;
	s6 =	sadd.s32 @!p0 $0x88, s6;
	s7 =	simm.s32 @p2 $0x1082  }
0x22: {  	[simem:s7], [sflag:s8] =	dma.local @!p0 [hbm:s6], $0xF7A  }
0x23: {  	s9 =	sor.u32 $0xD0000000, s2;
	s6 =	simm.s32 $0x108;
	_ =	swait.ge @!p0 [sflag:s8], $0x0  }
0x24: {  	s3 =	sadd.s32 $0x88, s3;
	s6 =	simm.s32 @!p1 $0x1082;
	[sflag:s4] =	ssyncset.s32 $0xFFFFF086  }
0x25: {  	[simem:s6], [sflag:s4] =	dma.local [hbm:s3], $0xF7A  }
0x26: {  	[smem:$0x3F9D] =	sst s1;
	(tag) =	ssettag s2;
	_ =	strace s9  }
0x27: {  	s1 =	sld [smem:$0x3FAD]  }
0x28: {  	s2 =	sld [smem:$0x3FAE]  }
0x29: {  	s4 =	sld [smem:$0x3FB0]  }
0x2a: {  	p0 =	seq.s32 s5, $0x0;
	s5 =	sld [smem:$0x3FB1]  }
0x2b: {  	s6 =	sld [smem:$0x3FB2]  }
0x2c: {  	s7 =	sld [smem:$0x3FB3]  }
0x2d: {  	s3 =	simm.s32 $0x108;
	s8 =	sld [smem:$0x3FB4]  }
0x2e: {  	s3 =	simm.s32 @!p0 $0x1082;
	s9 =	sld [smem:$0x3FB5]  }
0x2f: {  	lr =	sadd.s32 s0, s3;
	s0 =	sld [smem:$0x3FAC]  }
0x30: {  	s3 =	sld [smem:$0x3FAF]  }
0x31: {  	[smem:$0x3FB8] =	sst s10  }
0x32: {  	s10 =	sld [smem:$0x3FB6];
	_ =	sdelay $0x3  }
0x33: {  	p0 =	seq.s32 s10, $0x1;
	s10 =	sld [smem:$0x3FB8];
	_ =	sdelay $0x3  }
0x34: {  	[smem:$0x3FB8] =	sst s10  }
0x35: {  	s10 =	sld [smem:$0x3FB7];
	_ =	sdelay $0x3  }
0x36: {  	p1 =	seq.s32 s10, $0x1;
	s10 =	sld [smem:$0x3FB8];
	_ =	sdelay $0x3  }
0x37: {  	[smem:$0x3FB8] =	sst s10  }
0x38: {  	s10 =	sld [smem:$0x3FB9]  }
0x39: {  	_ = 	snop;
	(pc) =	sbr.ind lr, $3  }
0x3a: {  	_ = 	snop  }
0x3b: {  	_ = 	snop  }
0x3c: {  	p2 =	seq.s32 s10, $0x1;
	s10 =	sld [smem:$0x3FB8]  }
0x3d: {  	_ =	shalt  }
0x3e: {  	_ =	shalt  }
0x3f: {  	_ =	shalt  }
0x40: {  	_ =	shalt  }
0x41: {  	_ =	shalt  }
0x42: {  	_ =	shalt  }
0x43: {  	_ =	shalt  }
0x44: {  	_ =	shalt  }
0x45: {  	_ =	shalt  }
0x46: {  	_ =	shalt  }
0x47: {  	_ =	shalt  }
0x48: {  	_ =	shalt  }
0x49: {  	_ =	shalt  }
0x4a: {  	_ =	shalt  }
0x4b: {  	_ =	shalt  }
0x4c: {  	_ =	shalt  }
0x4d: {  	_ =	shalt  }
0x4e: {  	_ =	shalt  }
0x4f: {  	_ =	shalt  }
0x50: {  	_ =	shalt  }
0x51: {  	_ =	shalt  }
0x52: {  	_ =	shalt  }
0x53: {  	_ =	shalt  }
0x54: {  	_ =	shalt  }
0x55: {  	_ =	shalt  }
0x56: {  	_ =	shalt  }
0x57: {  	_ =	shalt  }
0x58: {  	_ =	shalt  }
0x59: {  	_ =	shalt  }
0x5a: {  	_ =	shalt  }
0x5b: {  	_ =	shalt  }
0x5c: {  	_ =	shalt  }
0x5d: {  	_ =	shalt  }
0x5e: {  	_ =	shalt  }
0x5f: {  	_ =	shalt  }
0x60: {  	_ =	shalt  }
0x61: {  	_ =	shalt  }
0x62: {  	_ =	shalt  }
0x63: {  	_ =	shalt  }
0x64: {  	_ =	shalt  }
0x65: {  	_ =	shalt  }
0x66: {  	_ =	shalt  }
0x67: {  	_ =	shalt  }
0x68: {  	_ =	shalt  }
0x69: {  	_ =	shalt  }
0x6a: {  	_ =	shalt  }
0x6b: {  	_ =	shalt  }
0x6c: {  	_ =	shalt  }
0x6d: {  	_ =	shalt  }
0x6e: {  	_ =	shalt  }
0x6f: {  	_ =	shalt  }
0x70: {  	_ =	shalt  }
0x71: {  	_ =	shalt  }
0x72: {  	_ =	shalt  }
0x73: {  	_ =	shalt  }
0x74: {  	_ =	shalt  }
0x75: {  	_ =	shalt  }
0x76: {  	_ =	shalt  }
0x77: {  	_ =	shalt  }
0x78: {  	_ =	shalt  }
0x79: {  	_ =	shalt  }
0x7a: {  	_ =	shalt  }
0x7b: {  	_ =	shalt  }
0x7c: {  	_ =	shalt  }
0x7d: {  	_ =	shalt  }
0x7e: {  	_ =	shalt  }
0x7f: {  	_ =	shalt  }
0x80: {  	_ =	shalt  }
0x81: {  	_ =	shalt  }
0x82: {  	_ =	shalt  }
0x83: {  	_ =	shalt  }
0x84: {  	_ =	shalt  }
0x85: {  	_ =	shalt  }
0x86: {  	_ =	shalt  }
0x87: {  	_ =	shalt  }
.Lfunc_end0:
.L_simem_size_0:
called_computation.1_lowered:
.L_overlay_start_0:
0x88: {  	s2 =	sld [smem:$0x3FD9]  }
0x89: {  	s3 =	sld [smem:$0x3FFE];
	_ =	sdelay $0x1  }
0x8a: {  	s1 =	srdreg.scid  }
0x8b: {  	s0 =	sand.u32 $0x1, s1  }
0x8c: {  	s14 =	sshll.u32 s0, $0xA;
	s2 =	sadd.s32 s3, s2  }
0x8d: {  	s2 =	sadd.s32 s2, s14  }
0x8e: {  	[smem:$0x3FC4] =	sst s2  }
0x8f: {  	_ = 	snop  }
0x90: {  	s2 =	sld [smem:$0x3FD0];
	_ =	sdelay $0x2  }
0x91: {  	s15 =	simm.s32 $0xA;
	s4 =	simm.s32 $0x10  }
0x92: {  	[smem:s4], [sflag:s15] =	dma.local [hbm:s2], $0x1  }
0x93: {  	_ =	swait.eq [sflag:s15], $0x1  }
0x94: {  	[sflag:s15] =	ssyncset.done $0x0  }
0x95: {  	[sflag:s15] =	ssyncadd.s32 $0xFFFFFFFF  }
0x96: {  	s16 =	sld [smem:$0x11];
	(tm) =	ssettm $0x1  }
0x97: {  	s17 =	sld [smem:$0x3FFB];
	_ =	sdelay $0x3  }
0x98: {  	_ =	strace s17  }
0x99: {  	s3 =	sld [smem:$0x3FFC];
	_ =	sdelay $0x3  }
0x9a: {  	_ =	strace s3  }
0x9b: {  	s3 =	sld [smem:$0x3FFD];
	_ =	sdelay $0x3  }
0x9c: {  	_ =	strace s3  }
0x9d: {  	_ =	strace $0x8FFFFFFF  }
0x9e: {  	s18 =	sld [smem:$0x3FDB];
	_ =	sdelay $0x1  }
0x9f: {  	s19 =	simm.s32 $_scs_section_size  }
0xa0: {  	s5 =	simm.s32 $_size__tile_overlayer_lowered;
	s6 =	simm.s32 $_tile_overlayer_lowered  }
0xa1: {  	s22 =	simm.s32 $0x1BFF;
	s21 =	sshll.u32 s6, $0x1;
	s3 =	sadd.s32 s19, s18  }
0xa2: {  	s7 =	simm.s32 $0x0;
	s20 =	sshll.u32 s5, $0x1;
	s5 =	sadd.s32 s21, s3  }
0xa3: {  	[timem:s7], [sflag:s22] =	dma.local [hbm:s5], s20  }
0xa4: {  	_ =	swait.ge [sflag:s22], s20  }
0xa5: {  	s4 =	ssub.s32 $0x0, s20;
	[sflag:s22] =	ssyncset.done $0x0  }
0xa6: {  	[sflag:s22] =	ssyncadd.s32 s4;
	_ =	sdelay $0x1  }
0xa7: {  	s23 =	simm.s32 $0x1B8B  }
0xa8: {  	_ =	swait.ge [sflag:s23], $0x1  }
0xa9: {  	[sflag:s23] =	ssyncset.done $0x0  }
0xaa: {  	s25 =	simm.s32 $0x1B8E;
	s24 =	sld [smem:$0x3FFE];
	[sflag:s23] =	ssyncadd.s32 $0xFFFFFFFF  }
0xab: {  	s26 =	simm.s32 $execute0_lowered;
	[smem:$0x3FD2] =	sst s25  }
0xac: {  	s5 =	sshll.u32 s26, $0x1;
	_ =	strace $0x80000049;
	[dreg:$0x1] =	wrdreg $0xFFFFFFFF  }
0xad: {  	s28 =	simm.s32 $_size_execute0_lowered;
	s3 =	sadd.s32 s3, s5;
	[dreg:$0x0] =	wrdreg $0x0  }
0xae: {  	s5 =	sshll.u32 s28, $0x1;
	[dreg:$0x2] =	wrdreg s3  }
0xaf: {  	[dreg:$0x3] =	wrdreg s5  }
0xb0: {  	[dreg:$0x4] =	wrdreg $0xC0  }
0xb1: {  	_ =	task [dreg:s7], $0x5FFFF  }
0xb2: {  	[dreg:$0x1] =	wrdreg $0xFFFFFFFF  }
0xb3: {  	[dreg:$0x0] =	wrdreg $0x60  }
0xb4: {  	[dreg:$0x2] =	wrdreg s16  }
0xb5: {  	[dreg:$0x3] =	wrdreg s24  }
0xb6: {  	[dreg:$0x4] =	wrdreg $0x7D000  }
0xb7: {  	[dreg:$0x5] =	wrdreg $0x9  }
0xb8: {  	_ =	task.clear_ibuf [dreg:s7], $0x6FFFF;
	_ =	strace $0x90000049  }
0xb9: {  	s29 =	simm.s32 $0x9;
	_ =	strace $0x8000004B  }
0xba: {  	_ =	swait.ge [sflag:s29], $0x1  }
0xbb: {  	[sflag:s29] =	ssyncadd.s32 $0xFFFFFFFF  }
0xbc: {  	_ =	strace $0x9000004B  }
0xbd: {  	_ =	sfence  }
0xbe: {  	s30 =	sld [smem:$0x0];
	_ =	sdelay $0x2  }
0xbf: {  	s31 =	sshll.u32 s1, $0xD;
	s1 =	sshrl.u32 s1, $0x2  }
0xc0: {  	s3 =	sand.u32 $0x4000, s31;
	s1 =	sadd.s32 s1, s30  }
0xc1: {  	s0 =	sor.u32 s3, s0;
	s1 =	sshll.u32 s1, $0x11  }
0xc2: {  	s0 =	sor.u32 s1, s0  }
0xc3: {  	s0 =	sadd.s32 $0x8F2B, s0  }
0xc4: {  	[sflag:s0] =	ssyncadd.remote.s32 $0x1  }
0xc5: {  	_ =	sfence.sel $0xFFFF  }
0xc6: {  	[dreg:$0x0] =	wrdreg $0xFFFFFFFF;
	(pc) =	sbr.abs _section_cstart, $3  }
0xc7: {  	[dreg:$0x1] =	wrdreg $0xFFFFFFFF  }
0xc8: {  	_ =	task.clear_ibuf [dreg:s7], $0x2FFFF;
	_ =	strace $0x9FFFFFFF  }
0xc9: {  	(tm) =	ssettm $0x7FFFFFFF  }
tec
execute0_lowered:
.L_overlay_start_1:
0x0: {  	(tag) =	ssettag $0x1  }
0x1: {  	s1 =	rddreg [dreg:$0x0]  }
0x2: {  	s0 =	rddreg [dreg:$0x1]  }
0x3: {  	s3 =	srdreg.scid;
	s2 =	rddreg [dreg:$0x2];
	s4 =	simm.s32 $0x0  }
0x4: {  	s9 =	stileid.u32;
	s10 =	simm.s32 $0xC;
	s11 =	simm.s32 $0x100  }
0x5: {  	s12 =	simm.s32 $0x200;
	s13 =	simm.s32 $0x300;
	s14 =	simm.s32 $0x400  }
0x6: {  	s15 =	simm.s32 $0x1;
	s16 =	simm.s32 $0x50;
	s17 =	simm.s32 $0x500  }
0x7: {  	s25 =	simm.s32 $0x80;
	s26 =	simm.s32 $0x180;
	s28 =	simm.s32 $0x5  }
0x8: {  	s29 =	simm.s32 $0x8;
	s30 =	simm.s32 $0x280;
	s7 =	smul.u32 $0x13800, s9  }
0x9: {  	s31 =	simm.s32 $0x380;
	s3 =	sand.u32 $0x1, s3;
	s18 =	smul.u32 $0x4E000, s9  }
0xa: {  	[smem:$0x7FF] =	sst s4;
	s8 =	sadd.s32 $0x20C00, s0;
	s20 =	smul.u32 $0xFA0, s9  }
0xb: {  	s5 =	smul.u32 $0xFA00, s3;
	_ =	strace $0x8000004A;
	[dreg:$0x7] =	wrdreg s8  }
0xc: {  	s22 =	sshll.u32 s9, $0x6;
	s6 =	smul.u32 $0x138800, s3;
	[dreg:$0x5] =	wrdreg s25  }
0xd: {  	s3 =	ssub.s32 $0x2, s3;
	[dreg:$0x6] =	wrdreg s26;
	s25 =	simm.s32 $0x7  }
0xe: {  	s26 =	simm.s32 $0xA;
	s19 =	sshrl.u32 s3, $0x1;
	s21 =	sshrl.u32 s18, $0x2  }
0xf: {  	s18 =	simm.s32 $0x2;
	s5 =	sadd.s32 s5, s0;
	s6 =	sadd.s32 s7, s6  }
0x10: {  	s3 =	ssub.s32 s3, s19;
	s7 =	sor.u32 $0x1C0C, s22;
	s19 =	simm.s32 $0x2D00  }
0x11: {  	s22 =	simm.s32 $0x6;
	s6 =	sshrl.u32 s6, $0x3;
	s5 =	sadd.s32 s20, s5  }
0x12: {  	s23 =	smax.u32 s3, $0x1;
	s20 =	simm.s32 $0x3;
	s3 =	simm.s32 $0xB  }
0x13: {  	[dreg:$0x8] =	wrdreg s7;
	s0 =	sadd.s32 s6, s0;
	s6 =	sadd.s32 s21, s2  }
0x14: {  	[dreg:$0xa] =	wrdreg s23;
	s24 =	sadd.s32 $0x1800, s5;
	s21 =	simm.s32 $0x5500  }
0x15: {  	s23 =	simm.s32 $0x9;
	s0 =	sadd.s32 $0x23400, s0;
	[dreg:$0x4] =	wrdreg s24  }
0x16: {  	s5 =	simm.s32 $0x0;
	s8 =	sshrl.u32 s6, $0x3;
	[dreg:$0x9] =	wrdreg s0  }
0x17: {  	s24 =	simm.s32 $0x4;
	s0 =	simm.s32 $0x480;
	[dreg:$0xb] =	wrdreg s8  }
.LBB2_1:
0x18: {  	s6 =	rddreg [dreg:$0x7]  }
0x19: {  	[spmem:s8], [sflag:s7] =	dma.local [hbm:s6], $0x2800  }
0x1a: {  	_ =	swait.ge [sflag:s10], $0x2800  }
0x1b: {  	[sflag:s10] =	ssyncset.done $0x0  }
0x1c: {  	[sflag:s10] =	ssyncadd.s32 $0xFFFFD800  }
0x1d: {  	[bflag:$0x0] =	sbarrier.arrive $0xFFFF  }
0x1e: {  	s8 =	rddreg [dreg:$0x4]  }
0x1f: {  	s6 =	sadd.s32 $0x0, s8  }
0x20: {  	[tilespmem:s4], [sflag:$0x1] =	stream.linear.gather [hbm4b:s6+s4], $0x100, $0x38;
	[tilespmem:$0x1B580] =	vst v63  }
0x21: {  	s9 =	sadd.s32 $0x20, s6  }
0x22: {  	[tilespmem:s11], [sflag:$0x2] =	stream.linear.gather [hbm4b:s9+s4], $0x100, $0x38;
	[tilespmem:$0x1B580] =	vst v63  }
0x23: {  	s8 =	sadd.s32 $0x40, s6  }
0x24: {  	[tilespmem:s12], [sflag:$0x3] =	stream.linear.gather [hbm4b:s8+s4], $0x100, $0x38;
	[tilespmem:$0x1B580] =	vst v63  }
0x25: {  	s9 =	sadd.s32 $0x60, s6  }
0x26: {  	[tilespmem:s13], [sflag:$0x4] =	stream.linear.gather [hbm4b:s9+s4], $0x100, $0x38;
	[tilespmem:$0x1B580] =	vst v63  }
0x27: {  	s6 =	sadd.s32 $0x80, s6  }
0x28: {  	[tilespmem:s14], [sflag:$0x5] =	stream.linear.gather [hbm4b:s6+s4], $0x100, $0x38;
	[tilespmem:$0x1B580] =	vst v63  }
0x29: {  	_ =	swait.ge [sflag:s15], $0x100  }
0x2a: {  	[sflag:s15] =	ssyncset.done $0x0  }
0x2b: {  	[sflag:s15] =	ssyncadd.s32 $0xFFFFFF00  }
0x2c: {  	[tilespmem:s17], [sflag:$0x6] =	stream.indirect.gather [hbm4b:s1+s16], $0x80, s4, s16, $0xb8;
	[tilespmem:$0x1B580] =	vst v63  }
0x2d: {  	_ =	swait.ge [sflag:s18], $0x100  }
0x2e: {  	[sflag:s18] =	ssyncset.done $0x0  }
0x2f: {  	[sflag:s18] =	ssyncadd.s32 $0xFFFFFF00  }
0x30: {  	[tilespmem:s19], [sflag:$0x7] =	stream.indirect.gather [hbm4b:s1+s16], $0x80, s11, s16, $0xb8;
	[tilespmem:$0x1B580] =	vst v63  }
0x31: {  	_ =	swait.ge [sflag:s20], $0x100  }
0x32: {  	[sflag:s20] =	ssyncset.done $0x0  }
0x33: {  	[sflag:s20] =	ssyncadd.s32 $0xFFFFFF00  }
0x34: {  	[tilespmem:s21], [sflag:$0x8] =	stream.indirect.gather [hbm4b:s1+s16], $0x80, s12, s16, $0xb8;
	[tilespmem:$0x1B580] =	vst v63  }
0x35: {  	_ =	swait.ge [sflag:s22], $0x2800  }
0x36: {  	[sflag:s22] =	ssyncset.done $0x0  }
0x37: {  	s8 =	rddreg [dreg:$0x5];
	[sflag:s22] =	ssyncadd.s32 $0xFFFFD800  }
0x38: {  	[spmem:s2] =	stream.indirect.scatter.add.f32 [tilespmem:s17], [sflag:$0x9], $0x80, s8, s16, $0xb8;
	[tilespmem:$0x1B580] =	vst v63  }
0x39: {  	_ =	swait.ge [sflag:s23], $0x2800  }
0x3a: {  	[sflag:s23] =	ssyncset.done $0x0  }
0x3b: {  	[sflag:s23] =	ssyncadd.s32 $0xFFFFD800  }
0x3c: {  	_ =	swait.ge [sflag:s24], $0x100  }
0x3d: {  	[sflag:s24] =	ssyncset.done $0x0  }
0x3e: {  	[sflag:s24] =	ssyncadd.s32 $0xFFFFFF00  }
0x3f: {  	[tilespmem:s17], [sflag:$0x6] =	stream.indirect.gather [hbm4b:s1+s16], $0x80, s13, s16, $0xb8;
	[tilespmem:$0x1B580] =	vst v63  }
0x40: {  	_ =	swait.ge [sflag:s25], $0x2800  }
0x41: {  	[sflag:s25] =	ssyncset.done $0x0  }
0x42: {  	s9 =	rddreg [dreg:$0x6];
	[sflag:s25] =	ssyncadd.s32 $0xFFFFD800  }
0x43: {  	[spmem:s2] =	stream.indirect.scatter.add.f32 [tilespmem:s19], [sflag:$0xA], $0x80, s9, s16, $0xb8;
	[tilespmem:$0x1B580] =	vst v63  }
0x44: {  	_ =	swait.ge [sflag:s26], $0x2800  }
0x45: {  	[sflag:s26] =	ssyncset.done $0x0  }
0x46: {  	[sflag:s26] =	ssyncadd.s32 $0xFFFFD800  }
0x47: {  	_ =	swait.ge [sflag:s28], $0x100  }
0x48: {  	[sflag:s28] =	ssyncset.done $0x0  }
0x49: {  	[sflag:s28] =	ssyncadd.s32 $0xFFFFFF00  }
0x4a: {  	[tilespmem:s19], [sflag:$0x7] =	stream.indirect.gather [hbm4b:s1+s16], $0x80, s14, s16, $0xb8;
	[tilespmem:$0x1B580] =	vst v63  }
0x4b: {  	_ =	swait.ge [sflag:s29], $0x2800  }
0x4c: {  	[sflag:s29] =	ssyncset.done $0x0  }
0x4d: {  	[sflag:s29] =	ssyncadd.s32 $0xFFFFD800  }
0x4e: {  	[spmem:s2] =	stream.indirect.scatter.add.f32 [tilespmem:s21], [sflag:$0xB], $0x80, s30, s16, $0xb8;
	[tilespmem:$0x1B580] =	vst v63  }
0x4f: {  	_ =	swait.ge [sflag:s22], $0x2800  }
0x50: {  	[sflag:s22] =	ssyncset.done $0x0  }
0x51: {  	[sflag:s22] =	ssyncadd.s32 $0xFFFFD800  }
0x52: {  	[spmem:s2] =	stream.indirect.scatter.add.f32 [tilespmem:s17], [sflag:$0x9], $0x80, s31, s16, $0xb8;
	[tilespmem:$0x1B580] =	vst v63  }
0x53: {  	_ =	swait.ge [sflag:s25], $0x2800  }
0x54: {  	[sflag:s25] =	ssyncset.done $0x0  }
0x55: {  	[sflag:s25] =	ssyncadd.s32 $0xFFFFD800  }
0x56: {  	[spmem:s2] =	stream.indirect.scatter.add.f32 [tilespmem:s19], [sflag:$0xA], $0x80, s0, s16, $0xb8;
	[tilespmem:$0x1B580] =	vst v63  }
0x57: {  	_ =	swait.ge [sflag:s3], $0x2800  }
0x58: {  	[sflag:s3] =	ssyncset.done $0x0  }
0x59: {  	[sflag:s3] =	ssyncadd.s32 $0xFFFFD800  }
0x5a: {  	_ =	swait.ge [sflag:s23], $0x2800  }
0x5b: {  	[sflag:s23] =	ssyncset.done $0x0  }
0x5c: {  	[sflag:s23] =	ssyncadd.s32 $0xFFFFD800  }
0x5d: {  	s7 =	simm.s32 $0xA0;
	_ =	swait.ge [sflag:s26], $0x2800  }
0x5e: {  	s8 =	simm.s32 $0x140;
	s6 =	rddreg [dreg:$0x4];
	[sflag:s26] =	ssyncset.done $0x0  }
.LBB2_2:
0x5f: {  	[sflag:s26] =	ssyncadd.s32 $0xFFFFD800;
	s9 =	smov.u32 s8;
	s6 =	sadd.s32 s7, s6  }
0x60: {  	[tilespmem:s4], [sflag:$0x1] =	stream.linear.gather [hbm4b:s6+s4], $0x100, $0x38;
	[tilespmem:$0x1B580] =	vst v63  }
0x61: {  	s7 =	smov.u32 s9;
	s9 =	sadd.s32 $0x20, s6  }
0x62: {  	[tilespmem:s11], [sflag:$0x2] =	stream.linear.gather [hbm4b:s9+s4], $0x100, $0x38;
	[tilespmem:$0x1B580] =	vst v63  }
0x63: {  	s9 =	sadd.s32 $0x40, s6  }
0x64: {  	[tilespmem:s12], [sflag:$0x3] =	stream.linear.gather [hbm4b:s9+s4], $0x100, $0x38;
	[tilespmem:$0x1B580] =	vst v63  }
0x65: {  	s9 =	sadd.s32 $0x60, s6  }
0x66: {  	[tilespmem:s13], [sflag:$0x4] =	stream.linear.gather [hbm4b:s9+s4], $0x100, $0x38;
	[tilespmem:$0x1B580] =	vst v63  }
0x67: {  	s6 =	sadd.s32 $0x80, s6  }
0x68: {  	[tilespmem:s14], [sflag:$0x5] =	stream.linear.gather [hbm4b:s6+s4], $0x100, $0x38;
	[tilespmem:$0x1B580] =	vst v63  }
0x69: {  	_ =	swait.ge [sflag:s15], $0x100  }
0x6a: {  	[sflag:s15] =	ssyncset.done $0x0  }
0x6b: {  	[sflag:s15] =	ssyncadd.s32 $0xFFFFFF00  }
0x6c: {  	[tilespmem:s17], [sflag:$0x6] =	stream.indirect.gather [hbm4b:s1+s16], $0x80, s4, s16, $0xb8;
	[tilespmem:$0x1B580] =	vst v63  }
0x6d: {  	_ =	swait.ge [sflag:s18], $0x100  }
0x6e: {  	[sflag:s18] =	ssyncset.done $0x0  }
0x6f: {  	[sflag:s18] =	ssyncadd.s32 $0xFFFFFF00  }
0x70: {  	[tilespmem:s19], [sflag:$0x7] =	stream.indirect.gather [hbm4b:s1+s16], $0x80, s11, s16, $0xb8;
	[tilespmem:$0x1B580] =	vst v63  }
0x71: {  	_ =	swait.ge [sflag:s20], $0x100  }
0x72: {  	[sflag:s20] =	ssyncset.done $0x0  }
0x73: {  	[sflag:s20] =	ssyncadd.s32 $0xFFFFFF00  }
0x74: {  	[tilespmem:s21], [sflag:$0x8] =	stream.indirect.gather [hbm4b:s1+s16], $0x80, s12, s16, $0xb8;
	[tilespmem:$0x1B580] =	vst v63  }
0x75: {  	_ =	swait.ge [sflag:s22], $0x2800  }
0x76: {  	[sflag:s22] =	ssyncset.done $0x0  }
0x77: {  	s9 =	rddreg [dreg:$0x5];
	[sflag:s22] =	ssyncadd.s32 $0xFFFFD800  }
0x78: {  	[spmem:s2] =	stream.indirect.scatter.add.f32 [tilespmem:s17], [sflag:$0x9], $0x80, s9, s16, $0xb8;
	[tilespmem:$0x1B580] =	vst v63  }
0x79: {  	_ =	swait.ge [sflag:s23], $0x2800  }
0x7a: {  	[sflag:s23] =	ssyncset.done $0x0  }
0x7b: {  	[sflag:s23] =	ssyncadd.s32 $0xFFFFD800  }
0x7c: {  	_ =	swait.ge [sflag:s24], $0x100  }
0x7d: {  	[sflag:s24] =	ssyncset.done $0x0  }
0x7e: {  	[sflag:s24] =	ssyncadd.s32 $0xFFFFFF00  }
0x7f: {  	[tilespmem:s17], [sflag:$0x6] =	stream.indirect.gather [hbm4b:s1+s16], $0x80, s13, s16, $0xb8;
	[tilespmem:$0x1B580] =	vst v63  }
0x80: {  	_ =	swait.ge [sflag:s25], $0x2800  }
0x81: {  	[sflag:s25] =	ssyncset.done $0x0  }
0x82: {  	s9 =	rddreg [dreg:$0x6];
	[sflag:s25] =	ssyncadd.s32 $0xFFFFD800  }
0x83: {  	[spmem:s2] =	stream.indirect.scatter.add.f32 [tilespmem:s19], [sflag:$0xA], $0x80, s9, s16, $0xb8;
	[tilespmem:$0x1B580] =	vst v63  }
0x84: {  	_ =	swait.ge [sflag:s26], $0x2800  }
0x85: {  	[sflag:s26] =	ssyncset.done $0x0  }
0x86: {  	[sflag:s26] =	ssyncadd.s32 $0xFFFFD800  }
0x87: {  	_ =	swait.ge [sflag:s28], $0x100  }
0x88: {  	[sflag:s28] =	ssyncset.done $0x0  }
0x89: {  	[sflag:s28] =	ssyncadd.s32 $0xFFFFFF00  }
0x8a: {  	[tilespmem:s19], [sflag:$0x7] =	stream.indirect.gather [hbm4b:s1+s16], $0x80, s14, s16, $0xb8;
	[tilespmem:$0x1B580] =	vst v63  }
0x8b: {  	_ =	swait.ge [sflag:s29], $0x2800  }
0x8c: {  	[sflag:s29] =	ssyncset.done $0x0  }
0x8d: {  	[sflag:s29] =	ssyncadd.s32 $0xFFFFD800  }
0x8e: {  	[spmem:s2] =	stream.indirect.scatter.add.f32 [tilespmem:s21], [sflag:$0xB], $0x80, s30, s16, $0xb8;
	[tilespmem:$0x1B580] =	vst v63  }
0x8f: {  	_ =	swait.ge [sflag:s22], $0x2800  }
0x90: {  	[sflag:s22] =	ssyncset.done $0x0  }
0x91: {  	[sflag:s22] =	ssyncadd.s32 $0xFFFFD800  }
0x92: {  	[spmem:s2] =	stream.indirect.scatter.add.f32 [tilespmem:s17], [sflag:$0x9], $0x80, s31, s16, $0xb8;
	[tilespmem:$0x1B580] =	vst v63  }
0x93: {  	_ =	swait.ge [sflag:s25], $0x2800  }
0x94: {  	[sflag:s25] =	ssyncset.done $0x0  }
0x95: {  	[sflag:s25] =	ssyncadd.s32 $0xFFFFD800  }
0x96: {  	[spmem:s2] =	stream.indirect.scatter.add.f32 [tilespmem:s19], [sflag:$0xA], $0x80, s0, s16, $0xb8;
	[tilespmem:$0x1B580] =	vst v63  }
0x97: {  	_ =	swait.ge [sflag:s3], $0x2800  }
0x98: {  	[sflag:s3] =	ssyncset.done $0x0  }
0x99: {  	p0 =	sne.s32 s8, $0xF00;
	[sflag:s3] =	ssyncadd.s32 $0xFFFFD800  }
.Ltmp0:
0x9a: {  	_ =	swait.ge [sflag:s23], $0x2800;
	(pc) =	sbr.rel @p0 .LBB2_2-.Ltmp0, $4  }
0x9b: {  	[sflag:s23] =	ssyncset.done $0x0  }
0x9c: {  	[sflag:s23] =	ssyncadd.s32 $0xFFFFD800  }
0x9d: {  	_ =	swait.ge [sflag:s26], $0x2800  }
0x9e: {  	s8 =	sadd.s32 $0xA0, s8;
	s6 =	rddreg [dreg:$0x4];
	[sflag:s26] =	ssyncset.done $0x0  }
0x9f: {  	[sflag:s26] =	ssyncadd.s32 $0xFFFFD800;
	s6 =	sadd.s32 s7, s6  }
0xa0: {  	[tilespmem:s4], [sflag:$0x1] =	stream.linear.gather [hbm4b:s6+s4], $0x100, $0x38;
	[tilespmem:$0x1B580] =	vst v63  }
0xa1: {  	s7 =	sadd.s32 $0x20, s6  }
0xa2: {  	[tilespmem:s11], [sflag:$0x2] =	stream.linear.gather [hbm4b:s7+s4], $0x100, $0x38;
	[tilespmem:$0x1B580] =	vst v63  }
0xa3: {  	s8 =	sadd.s32 $0x40, s6  }
0xa4: {  	[tilespmem:s12], [sflag:$0x3] =	stream.linear.gather [hbm4b:s8+s4], $0x100, $0x38;
	[tilespmem:$0x1B580] =	vst v63  }
0xa5: {  	s9 =	sadd.s32 $0x60, s6  }
0xa6: {  	[tilespmem:s13], [sflag:$0x4] =	stream.linear.gather [hbm4b:s9+s4], $0x100, $0x38;
	[tilespmem:$0x1B580] =	vst v63  }
0xa7: {  	s6 =	sadd.s32 $0x80, s6  }
0xa8: {  	[tilespmem:s14], [sflag:$0x5] =	stream.linear.gather [hbm4b:s6+s4], $0x100, $0x38;
	[tilespmem:$0x1B580] =	vst v63  }
0xa9: {  	_ =	swait.ge [sflag:s15], $0x100  }
0xaa: {  	[sflag:s15] =	ssyncset.done $0x0  }
0xab: {  	[sflag:s15] =	ssyncadd.s32 $0xFFFFFF00  }
0xac: {  	[tilespmem:s17], [sflag:$0x6] =	stream.indirect.gather [hbm4b:s1+s16], $0x80, s4, s16, $0xb8;
	[tilespmem:$0x1B580] =	vst v63  }
0xad: {  	_ =	swait.ge [sflag:s18], $0x100  }
0xae: {  	[sflag:s18] =	ssyncset.done $0x0  }
0xaf: {  	[sflag:s18] =	ssyncadd.s32 $0xFFFFFF00  }
0xb0: {  	[tilespmem:s19], [sflag:$0x7] =	stream.indirect.gather [hbm4b:s1+s16], $0x80, s11, s16, $0xb8;
	[tilespmem:$0x1B580] =	vst v63  }
0xb1: {  	_ =	swait.ge [sflag:s20], $0x100  }
0xb2: {  	[sflag:s20] =	ssyncset.done $0x0  }
0xb3: {  	[sflag:s20] =	ssyncadd.s32 $0xFFFFFF00  }
0xb4: {  	[tilespmem:s21], [sflag:$0x8] =	stream.indirect.gather [hbm4b:s1+s16], $0x80, s12, s16, $0xb8;
	[tilespmem:$0x1B580] =	vst v63  }
0xb5: {  	_ =	swait.ge [sflag:s22], $0x2800  }
0xb6: {  	[sflag:s22] =	ssyncset.done $0x0  }
0xb7: {  	s7 =	rddreg [dreg:$0x5];
	[sflag:s22] =	ssyncadd.s32 $0xFFFFD800  }
0xb8: {  	[spmem:s2] =	stream.indirect.scatter.add.f32 [tilespmem:s17], [sflag:$0x9], $0x80, s7, s16, $0xb8;
	[tilespmem:$0x1B580] =	vst v63  }
0xb9: {  	_ =	swait.ge [sflag:s23], $0x2800  }
0xba: {  	[sflag:s23] =	ssyncset.done $0x0  }
0xbb: {  	[sflag:s23] =	ssyncadd.s32 $0xFFFFD800  }
0xbc: {  	_ =	swait.ge [sflag:s24], $0x100  }
0xbd: {  	[sflag:s24] =	ssyncset.done $0x0  }
0xbe: {  	[sflag:s24] =	ssyncadd.s32 $0xFFFFFF00  }
0xbf: {  	[tilespmem:s17], [sflag:$0x6] =	stream.indirect.gather [hbm4b:s1+s16], $0x80, s13, s16, $0xb8;
	[tilespmem:$0x1B580] =	vst v63  }
0xc0: {  	_ =	swait.ge [sflag:s25], $0x2800  }
0xc1: {  	[sflag:s25] =	ssyncset.done $0x0  }
0xc2: {  	s8 =	rddreg [dreg:$0x6];
	[sflag:s25] =	ssyncadd.s32 $0xFFFFD800  }
0xc3: {  	[spmem:s2] =	stream.indirect.scatter.add.f32 [tilespmem:s19], [sflag:$0xA], $0x80, s8, s16, $0xb8;
	[tilespmem:$0x1B580] =	vst v63  }
0xc4: {  	_ =	swait.ge [sflag:s26], $0x2800  }
0xc5: {  	[sflag:s26] =	ssyncset.done $0x0  }
0xc6: {  	[sflag:s26] =	ssyncadd.s32 $0xFFFFD800  }
0xc7: {  	_ =	swait.ge [sflag:s28], $0x100  }
0xc8: {  	[sflag:s28] =	ssyncset.done $0x0  }
0xc9: {  	[sflag:s28] =	ssyncadd.s32 $0xFFFFFF00  }
0xca: {  	[tilespmem:s19], [sflag:$0x7] =	stream.indirect.gather [hbm4b:s1+s16], $0x80, s14, s16, $0xb8;
	[tilespmem:$0x1B580] =	vst v63  }
0xcb: {  	_ =	swait.ge [sflag:s29], $0x2800  }
0xcc: {  	[sflag:s29] =	ssyncset.done $0x0  }
0xcd: {  	[sflag:s29] =	ssyncadd.s32 $0xFFFFD800  }
0xce: {  	[spmem:s2] =	stream.indirect.scatter.add.f32 [tilespmem:s21], [sflag:$0xB], $0x80, s30, s16, $0xb8;
	[tilespmem:$0x1B580] =	vst v63  }
0xcf: {  	_ =	swait.ge [sflag:s22], $0x2800  }
0xd0: {  	[sflag:s22] =	ssyncset.done $0x0  }
0xd1: {  	[sflag:s22] =	ssyncadd.s32 $0xFFFFD800  }
0xd2: {  	[spmem:s2] =	stream.indirect.scatter.add.f32 [tilespmem:s17], [sflag:$0x9], $0x80, s31, s16, $0xb8;
	[tilespmem:$0x1B580] =	vst v63  }
0xd3: {  	_ =	swait.ge [sflag:s25], $0x2800  }
0xd4: {  	[sflag:s25] =	ssyncset.done $0x0  }
0xd5: {  	[sflag:s25] =	ssyncadd.s32 $0xFFFFD800  }
0xd6: {  	[spmem:s2] =	stream.indirect.scatter.add.f32 [tilespmem:s19], [sflag:$0xA], $0x80, s0, s16, $0xb8;
	[tilespmem:$0x1B580] =	vst v63  }
0xd7: {  	_ =	swait.ge [sflag:s3], $0x2800  }
0xd8: {  	[sflag:s3] =	ssyncset.done $0x0  }
0xd9: {  	[sflag:s3] =	ssyncadd.s32 $0xFFFFD800  }
0xda: {  	_ =	swait.ge [sflag:s23], $0x2800  }
0xdb: {  	[sflag:s23] =	ssyncset.done $0x0  }
0xdc: {  	[sflag:s23] =	ssyncadd.s32 $0xFFFFD800  }
0xdd: {  	_ =	swait.ge [sflag:s26], $0x2800  }
0xde: {  	[sflag:s26] =	ssyncset.done $0x0  }
0xdf: {  	[sflag:s26] =	ssyncadd.s32 $0xFFFFD800  }
0xe0: {  	[bflag:$0x0] =	sbarrier.arrive $0xFFFF  }
0xe1: {  	s7 =	rddreg [dreg:$0x8]  }
0xe2: {  	s9 =	rddreg [dreg:$0x9]  }
0xe3: {  	s8 =	rddreg [dreg:$0xb]  }
0xe4: {  	[hbm:s9], [sflag:s7] =	dma.local [spmem:s8], $0x2800  }
0xe5: {  	_ =	swait.ge [sflag:s10], $0x2800  }
0xe6: {  	s5 =	sadd.s32 $0x1, s5;
	s9 =	rddreg [dreg:$0xa]  }
0xe7: {  	p0 =	sne.s32 s5, s9  }
.Ltmp1:
0xe8: {  	_ = 	snop;
	(pc) =	sbr.rel @p0 .LBB2_1-.Ltmp1, $3  }
0xe9: {  	_ =	sdelay $0x1  }
0xea: {  	[sflag:s10] =	ssyncset.done $0x0  }
0xeb: {  	[sflag:s10] =	ssyncadd.s32 $0xFFFFD800  }
0xec: {  	_ =	sfence.sel $0x180000  }
0xed: {  	[bflag:$0x0] =	sbarrier.arrive $0xFFFF  }
0xee: {  	_ =	strace $0x9000004A  }
0xef: {  	s0 =	stileid.u32;
	[bflag:$0x2] =	sbarrier.arrive $0xFFFF  }
0xf0: {  	p0 =	sne.s32 s0, $0x0;
	s0 =	rddreg [dreg:$0x3]  }
0xf1: {  	s0 =	sadd.s32 @!p0 $0x100000, s0  }
0xf2: {  	[sflag:s0] =	ssyncadd.tile.s32 @!p0 $0x1;
	_ =	shalt  }
.Lfunc_end2:
_tile_overlayer_lowered:
.L_overlay_start_2:
0xf3: {  	(tag) =	ssettag $0x2  }
0xf4: {  	s0 =	rddreg [dreg:$0x0];
	s2 =	stileid.u32  }
0xf5: {  	s1 =	rddreg [dreg:$0x1];
	p0 =	sne.s32 s2, $0x0  }
0xf6: {  	s3 =	rddreg [dreg:$0x2];
	[bflag:$0x3] =	sbarrier.arrive $0xFFFF;
	s2 =	simm.s32 @!p0 $0x1C0C  }
0xf7: {  	[timem:s3], [sflag:s2] =	dma.local @!p0 [hbm:s0], s1  }
0xf8: {  	s0 =	simm.s32 @!p0 $0xC  }
0xf9: {  	_ =	swait.ge @!p0 [sflag:s0], s1  }
0xfa: {  	s1 =	ssub.s32 @!p0 $0x0, s1;
	[sflag:s0] =	ssyncset.done @!p0 $0x0  }
0xfb: {  	[sflag:s0] =	ssyncadd.s32 @!p0 s1  }
0xfc: {  	[bflag:$0x3] =	sbarrier.arrive $0xFFFF  }
0xfd: {  	_ =	shalt  }

// kernel: kernel.7.cloned.1.call-start
scs
__scs_entry_jumppad:
0x0: {  	(pc) =	sbr.rel $0x88, $3  }
0x1: {  	(tag) =	ssettag $0x0;
	lr =	simm.s32 $0x1  }
0x2: {  	[smem:$0x3F9D] =	sst lr;
	_ =	strace $0xD0000000  }
0x3: {  	_ = 	snop  }
0x4: {  	_ = 	snop  }
0x5: {  	_ = 	snop  }
0x6: {  	_ = 	snop  }
0x7: {  	_ = 	snop  }
__scs_overlays_trampoline_lowered:
0x8: {  	[smem:$0x3FAC] =	sst s0  }
0x9: {  	[smem:$0x3FAD] =	sst s1  }
0xa: {  	[smem:$0x3FAE] =	sst s2  }
0xb: {  	[smem:$0x3FAF] =	sst s3  }
0xc: {  	[smem:$0x3FB0] =	sst s4  }
0xd: {  	[smem:$0x3FB1] =	sst s5  }
0xe: {  	[smem:$0x3FB2] =	sst s6  }
0xf: {  	[smem:$0x3FB3] =	sst s7  }
0x10: {  	[smem:$0x3FB4] =	sst s8  }
0x11: {  	[smem:$0x3FB5] =	sst s9;
	s0 =	simm.s32 @!p0 $0x0  }
0x12: {  	s1 =	sld [smem:$0x3F9B];
	s0 =	simm.s32 @p0 $0x1  }
0x13: {  	[smem:$0x3FB6] =	sst s0;
	s0 =	simm.s32 @!p1 $0x0  }
0x14: {  	s2 =	sld [smem:$0x3F9A];
	s0 =	simm.s32 @p1 $0x1  }
0x15: {  	[smem:$0x3FB7] =	sst s0;
	s0 =	simm.s32 @!p2 $0x0  }
0x16: {  	s3 =	sld [smem:$0x3FDB];
	s0 =	simm.s32 @p2 $0x1  }
0x17: {  	s4 =	simm.s32 $0x1BF5;
	[smem:$0x3FB9] =	sst s0  }
0x18: {  	s0 =	sld [smem:$0x3F9C];
	_ =	swait.ge [sflag:s4], $0x0  }
0x19: {  	s7 =	sld [smem:$0x3F9D]  }
0x1a: {  	s8 =	sadd.s32 $0xFFFFE003, lr  }
0x1b: {  	s9 =	sadd.s32 $0xFFFFFEF7, lr;
	s5 =	simm.s32 $0xFFFFFFFF;
	p2 =	slt.u32 s8, $0xFFFFF086  }
0x1c: {  	p1 =	slt.u32 s9, $0xF7A;
	s5 =	simm.s32 @!p2 $0x0  }
0x1d: {  	s5 =	simm.s32 @p1 $0x1;
	p0 =	seq.s32 s7, s2  }
0x1e: {  	s7 =	smul.u32 @!p0 $0xF7A, s2;
	p2 =	seq.s32 @!p0 s5, $0x0  }
0x1f: {  	s9 =	smul.u32 $0xF7A, s1;
	s8 =	simm.s32 @!p0 $0x1BF5;
	p2 =	por !p2, p0  }
0x20: {  	[sflag:s8] =	ssyncset.s32 @!p0 $0xFFFFF086;
	s6 =	sadd.s32 @!p0 s3, s7;
	s7 =	simm.s32 @!p0 $0x108  }
0x21: {  	s3 =	sadd.s32 s3, s9;
	s6 =	sadd.s32 @!p0 $0x88, s6;
	s7 =	simm.s32 @p2 $0x1082  }
0x22: {  	[simem:s7], [sflag:s8] =	dma.local @!p0 [hbm:s6], $0xF7A  }
0x23: {  	s9 =	sor.u32 $0xD0000000, s2;
	s6 =	simm.s32 $0x108;
	_ =	swait.ge @!p0 [sflag:s8], $0x0  }
0x24: {  	s3 =	sadd.s32 $0x88, s3;
	s6 =	simm.s32 @!p1 $0x1082;
	[sflag:s4] =	ssyncset.s32 $0xFFFFF086  }
0x25: {  	[simem:s6], [sflag:s4] =	dma.local [hbm:s3], $0xF7A  }
0x26: {  	[smem:$0x3F9D] =	sst s1;
	(tag) =	ssettag s2;
	_ =	strace s9  }
0x27: {  	s1 =	sld [smem:$0x3FAD]  }
0x28: {  	s2 =	sld [smem:$0x3FAE]  }
0x29: {  	s4 =	sld [smem:$0x3FB0]  }
0x2a: {  	p0 =	seq.s32 s5, $0x0;
	s5 =	sld [smem:$0x3FB1]  }
0x2b: {  	s6 =	sld [smem:$0x3FB2]  }
0x2c: {  	s7 =	sld [smem:$0x3FB3]  }
0x2d: {  	s3 =	simm.s32 $0x108;
	s8 =	sld [smem:$0x3FB4]  }
0x2e: {  	s3 =	simm.s32 @!p0 $0x1082;
	s9 =	sld [smem:$0x3FB5]  }
0x2f: {  	lr =	sadd.s32 s0, s3;
	s0 =	sld [smem:$0x3FAC]  }
0x30: {  	s3 =	sld [smem:$0x3FAF]  }
0x31: {  	[smem:$0x3FB8] =	sst s10  }
0x32: {  	s10 =	sld [smem:$0x3FB6];
	_ =	sdelay $0x3  }
0x33: {  	p0 =	seq.s32 s10, $0x1;
	s10 =	sld [smem:$0x3FB8];
	_ =	sdelay $0x3  }
0x34: {  	[smem:$0x3FB8] =	sst s10  }
0x35: {  	s10 =	sld [smem:$0x3FB7];
	_ =	sdelay $0x3  }
0x36: {  	p1 =	seq.s32 s10, $0x1;
	s10 =	sld [smem:$0x3FB8];
	_ =	sdelay $0x3  }
0x37: {  	[smem:$0x3FB8] =	sst s10  }
0x38: {  	s10 =	sld [smem:$0x3FB9]  }
0x39: {  	_ = 	snop;
	(pc) =	sbr.ind lr, $3  }
0x3a: {  	_ = 	snop  }
0x3b: {  	_ = 	snop  }
0x3c: {  	p2 =	seq.s32 s10, $0x1;
	s10 =	sld [smem:$0x3FB8]  }
0x3d: {  	_ =	shalt  }
0x3e: {  	_ =	shalt  }
0x3f: {  	_ =	shalt  }
0x40: {  	_ =	shalt  }
0x41: {  	_ =	shalt  }
0x42: {  	_ =	shalt  }
0x43: {  	_ =	shalt  }
0x44: {  	_ =	shalt  }
0x45: {  	_ =	shalt  }
0x46: {  	_ =	shalt  }
0x47: {  	_ =	shalt  }
0x48: {  	_ =	shalt  }
0x49: {  	_ =	shalt  }
0x4a: {  	_ =	shalt  }
0x4b: {  	_ =	shalt  }
0x4c: {  	_ =	shalt  }
0x4d: {  	_ =	shalt  }
0x4e: {  	_ =	shalt  }
0x4f: {  	_ =	shalt  }
0x50: {  	_ =	shalt  }
0x51: {  	_ =	shalt  }
0x52: {  	_ =	shalt  }
0x53: {  	_ =	shalt  }
0x54: {  	_ =	shalt  }
0x55: {  	_ =	shalt  }
0x56: {  	_ =	shalt  }
0x57: {  	_ =	shalt  }
0x58: {  	_ =	shalt  }
0x59: {  	_ =	shalt  }
0x5a: {  	_ =	shalt  }
0x5b: {  	_ =	shalt  }
0x5c: {  	_ =	shalt  }
0x5d: {  	_ =	shalt  }
0x5e: {  	_ =	shalt  }
0x5f: {  	_ =	shalt  }
0x60: {  	_ =	shalt  }
0x61: {  	_ =	shalt  }
0x62: {  	_ =	shalt  }
0x63: {  	_ =	shalt  }
0x64: {  	_ =	shalt  }
0x65: {  	_ =	shalt  }
0x66: {  	_ =	shalt  }
0x67: {  	_ =	shalt  }
0x68: {  	_ =	shalt  }
0x69: {  	_ =	shalt  }
0x6a: {  	_ =	shalt  }
0x6b: {  	_ =	shalt  }
0x6c: {  	_ =	shalt  }
0x6d: {  	_ =	shalt  }
0x6e: {  	_ =	shalt  }
0x6f: {  	_ =	shalt  }
0x70: {  	_ =	shalt  }
0x71: {  	_ =	shalt  }
0x72: {  	_ =	shalt  }
0x73: {  	_ =	shalt  }
0x74: {  	_ =	shalt  }
0x75: {  	_ =	shalt  }
0x76: {  	_ =	shalt  }
0x77: {  	_ =	shalt  }
0x78: {  	_ =	shalt  }
0x79: {  	_ =	shalt  }
0x7a: {  	_ =	shalt  }
0x7b: {  	_ =	shalt  }
0x7c: {  	_ =	shalt  }
0x7d: {  	_ =	shalt  }
0x7e: {  	_ =	shalt  }
0x7f: {  	_ =	shalt  }
0x80: {  	_ =	shalt  }
0x81: {  	_ =	shalt  }
0x82: {  	_ =	shalt  }
0x83: {  	_ =	shalt  }
0x84: {  	_ =	shalt  }
0x85: {  	_ =	shalt  }
0x86: {  	_ =	shalt  }
0x87: {  	_ =	shalt  }
.Lfunc_end0:
.L_simem_size_0:
called_computation_lowered:
.L_overlay_start_0:
0x88: {  	s2 =	sld [smem:$0x3FD9]  }
0x89: {  	s3 =	sld [smem:$0x3FFE];
	_ =	sdelay $0x1  }
0x8a: {  	s1 =	srdreg.scid  }
0x8b: {  	s0 =	sand.u32 $0x1, s1  }
0x8c: {  	s14 =	sshll.u32 s0, $0xA;
	s2 =	sadd.s32 s3, s2  }
0x8d: {  	s2 =	sadd.s32 s2, s14  }
0x8e: {  	[smem:$0x3FC4] =	sst s2  }
0x8f: {  	_ = 	snop  }
0x90: {  	s2 =	sld [smem:$0x3FD0];
	_ =	sdelay $0x2  }
0x91: {  	s15 =	simm.s32 $0xA;
	s4 =	simm.s32 $0x10  }
0x92: {  	[smem:s4], [sflag:s15] =	dma.local [hbm:s2], $0x1  }
0x93: {  	_ =	swait.eq [sflag:s15], $0x1  }
0x94: {  	[sflag:s15] =	ssyncset.done $0x0  }
0x95: {  	[sflag:s15] =	ssyncadd.s32 $0xFFFFFFFF  }
0x96: {  	s16 =	sld [smem:$0x10];
	(tm) =	ssettm $0x1  }
0x97: {  	s17 =	sld [smem:$0x3FFB];
	_ =	sdelay $0x3  }
0x98: {  	_ =	strace s17  }
0x99: {  	s3 =	sld [smem:$0x3FFC];
	_ =	sdelay $0x3  }
0x9a: {  	_ =	strace s3  }
0x9b: {  	s3 =	sld [smem:$0x3FFD];
	_ =	sdelay $0x3  }
0x9c: {  	_ =	strace s3  }
0x9d: {  	_ =	strace $0x8FFFFFFF  }
0x9e: {  	s18 =	sld [smem:$0x3FDB];
	_ =	sdelay $0x1  }
0x9f: {  	s19 =	simm.s32 $_scs_section_size  }
0xa0: {  	s5 =	simm.s32 $_size__tile_overlayer_lowered;
	s6 =	simm.s32 $_tile_overlayer_lowered  }
0xa1: {  	s22 =	simm.s32 $0x1BFF;
	s21 =	sshll.u32 s6, $0x1;
	s3 =	sadd.s32 s19, s18  }
0xa2: {  	s7 =	simm.s32 $0x0;
	s20 =	sshll.u32 s5, $0x1;
	s5 =	sadd.s32 s21, s3  }
0xa3: {  	[timem:s7], [sflag:s22] =	dma.local [hbm:s5], s20  }
0xa4: {  	_ =	swait.ge [sflag:s22], s20  }
0xa5: {  	s4 =	ssub.s32 $0x0, s20;
	[sflag:s22] =	ssyncset.done $0x0  }
0xa6: {  	[sflag:s22] =	ssyncadd.s32 s4;
	_ =	sdelay $0x1  }
0xa7: {  	s23 =	simm.s32 $0x1B8B  }
0xa8: {  	_ =	swait.ge [sflag:s23], $0x1  }
0xa9: {  	[sflag:s23] =	ssyncset.done $0x0  }
0xaa: {  	s25 =	simm.s32 $0x1B8E;
	s24 =	sld [smem:$0x3FFE];
	[sflag:s23] =	ssyncadd.s32 $0xFFFFFFFF  }
0xab: {  	s26 =	simm.s32 $execute0_lowered;
	[smem:$0x3FD2] =	sst s25  }
0xac: {  	s5 =	sshll.u32 s26, $0x1;
	_ =	strace $0x80000046;
	[dreg:$0x1] =	wrdreg $0xFFFFFFFF  }
0xad: {  	s28 =	simm.s32 $_size_execute0_lowered;
	s3 =	sadd.s32 s3, s5;
	[dreg:$0x0] =	wrdreg $0x0  }
0xae: {  	s5 =	sshll.u32 s28, $0x1;
	[dreg:$0x2] =	wrdreg s3  }
0xaf: {  	[dreg:$0x3] =	wrdreg s5  }
0xb0: {  	[dreg:$0x4] =	wrdreg $0xC0  }
0xb1: {  	_ =	task [dreg:s7], $0x5FFFF  }
0xb2: {  	[dreg:$0x1] =	wrdreg $0xFFFFFFFF  }
0xb3: {  	[dreg:$0x0] =	wrdreg $0x60  }
0xb4: {  	[dreg:$0x2] =	wrdreg s16  }
0xb5: {  	[dreg:$0x3] =	wrdreg s24  }
0xb6: {  	[dreg:$0x4] =	wrdreg $0x7D000  }
0xb7: {  	[dreg:$0x5] =	wrdreg $0x9  }
0xb8: {  	_ =	task.clear_ibuf [dreg:s7], $0x6FFFF;
	_ =	strace $0x90000046  }
0xb9: {  	s29 =	simm.s32 $0x9;
	_ =	strace $0x80000048  }
0xba: {  	_ =	swait.ge [sflag:s29], $0x1  }
0xbb: {  	[sflag:s29] =	ssyncadd.s32 $0xFFFFFFFF  }
0xbc: {  	_ =	strace $0x90000048  }
0xbd: {  	_ =	sfence  }
0xbe: {  	s30 =	sld [smem:$0x0];
	_ =	sdelay $0x2  }
0xbf: {  	s31 =	sshll.u32 s1, $0xD;
	s1 =	sshrl.u32 s1, $0x2  }
0xc0: {  	s3 =	sand.u32 $0x4000, s31;
	s1 =	sadd.s32 s1, s30  }
0xc1: {  	s0 =	sor.u32 s3, s0;
	s1 =	sshll.u32 s1, $0x11  }
0xc2: {  	s0 =	sor.u32 s1, s0  }
0xc3: {  	s0 =	sadd.s32 $0x8F2B, s0  }
0xc4: {  	[sflag:s0] =	ssyncadd.remote.s32 $0x1  }
0xc5: {  	_ =	sfence.sel $0xFFFF  }
0xc6: {  	[dreg:$0x0] =	wrdreg $0xFFFFFFFF;
	(pc) =	sbr.abs _section_cstart, $3  }
0xc7: {  	[dreg:$0x1] =	wrdreg $0xFFFFFFFF  }
0xc8: {  	_ =	task.clear_ibuf [dreg:s7], $0x2FFFF;
	_ =	strace $0x9FFFFFFF  }
0xc9: {  	(tm) =	ssettm $0x7FFFFFFF  }
tec
execute0_lowered:
.L_overlay_start_1:
0x0: {  	(tag) =	ssettag $0x1  }
0x1: {  	s1 =	rddreg [dreg:$0x0]  }
0x2: {  	s0 =	rddreg [dreg:$0x1]  }
0x3: {  	s3 =	srdreg.scid;
	s2 =	rddreg [dreg:$0x2]  }
0x4: {  	s4 =	simm.s32 $0x0;
	s10 =	stileid.u32;
	s11 =	simm.s32 $0xC  }
0x5: {  	s12 =	simm.s32 $0x100;
	s13 =	simm.s32 $0x200;
	s24 =	simm.s32 $0x180  }
0x6: {  	s25 =	simm.s32 $0x280;
	s26 =	simm.s32 $0x380;
	s7 =	smul.u32 $0x13800, s10  }
0x7: {  	s28 =	simm.s32 $0x4;
	s29 =	simm.s32 $0x7;
	s17 =	smul.u32 $0x4E000, s10  }
0x8: {  	s30 =	simm.s32 $0xA;
	s3 =	sand.u32 $0x1, s3;
	s9 =	smul.u32 $0xFA0, s10  }
0x9: {  	s31 =	simm.s32 $0x5;
	[smem:$0x7FF] =	sst s4;
	s5 =	smul.u32 $0xFA00, s3  }
0xa: {  	s15 =	sadd.s32 $0x20C00, s0;
	s19 =	sshll.u32 s10, $0x6;
	s6 =	smul.u32 $0x138800, s3  }
0xb: {  	_ =	strace $0x80000047;
	s8 =	sshll.u32 s3, $0x4;
	[dreg:$0x8] =	wrdreg s15  }
0xc: {  	s3 =	ssub.s32 $0x2, s3;
	s21 =	sor.u32 $0x1C0C, s19;
	[dreg:$0x5] =	wrdreg s24  }
0xd: {  	s15 =	simm.s32 $0x400;
	s19 =	simm.s32 $0x2;
	[dreg:$0x6] =	wrdreg s25  }
0xe: {  	s24 =	simm.s32 $0x80;
	[dreg:$0x7] =	wrdreg s26;
	s25 =	simm.s32 $0x1B580  }
0xf: {  	s26 =	simm.s32 $0x9;
	s14 =	sor.u32 s10, s8;
	s18 =	sshrl.u32 s3, $0x1  }
0x10: {  	s8 =	smov.u32 s21;
	s21 =	simm.s32 $0x3;
	s5 =	sadd.s32 s5, s0  }
0x11: {  	s6 =	sadd.s32 s7, s6;
	s7 =	smul.u32 $0x2780, s14;
	s3 =	ssub.s32 s3, s18  }
0x12: {  	s14 =	simm.s32 $0x300;
	s18 =	simm.s32 $0x500;
	s6 =	sshrl.u32 s6, $0x3  }
0x13: {  	s5 =	sadd.s32 s9, s5;
	s3 =	smax.u32 s3, $0x1;
	s16 =	sadd.s32 s6, s0  }
0x14: {  	s0 =	sadd.s32 s7, s0;
	s6 =	sshrl.u32 s17, $0x2;
	s23 =	sadd.s32 $0x1800, s5  }
0x15: {  	[dreg:$0xb] =	wrdreg s3;
	s17 =	simm.s32 $0x50;
	s3 =	simm.s32 $0x480  }
0x16: {  	s5 =	simm.s32 $0xB;
	s7 =	simm.s32 $0x0;
	s20 =	sadd.s32 s6, s2  }
0x17: {  	s22 =	sadd.s32 $0x23400, s16;
	s0 =	sadd.s32 $0x71600, s0;
	[dreg:$0x4] =	wrdreg s23  }
0x18: {  	s16 =	simm.s32 $0x1;
	s23 =	simm.s32 $0x6;
	[dreg:$0x9] =	wrdreg s22  }
0x19: {  	[dreg:$0xa] =	wrdreg s0;
	s9 =	sshrl.u32 s20, $0x3;
	s20 =	simm.s32 $0x2D00  }
0x1a: {  	v0 =	vimm.f32 $0.0e+00;
	v1 =	vimm.f32 $1.000000000e+00;
	s22 =	simm.s32 $0x5500;
	s0 =	simm.s32 $0x8;
	[dreg:$0xc] =	wrdreg s9  }
.LBB2_1:
0x1b: {  	s6 =	rddreg [dreg:$0x8]  }
0x1c: {  	[spmem:s9], [sflag:s8] =	dma.local [hbm:s6], $0x2800  }
0x1d: {  	_ =	swait.ge [sflag:s11], $0x2800  }
0x1e: {  	s10 =	smov.u32 s8;
	[sflag:s11] =	ssyncset.done $0x0  }
0x1f: {  	s8 =	simm.s32 $0x40;
	s9 =	simm.s32 $0x0;
	[sflag:s11] =	ssyncadd.s32 $0xFFFFD800  }
.LBB2_2:
0x20: {  	p0 =	sne.s32 s8, $0x9C00;
	[tilespmem:s9+$0x1B580] =	vst v0;
	s9 =	smov.u32 s8;
	s8 =	sadd.s32 $0x40, s8  }
.Ltmp0:
0x21: {  	(pc) =	sbr.rel @p0 .LBB2_2-.Ltmp0, $2  }
0x22: {  	_ =	sdelay $0x2  }
0x23: {  	s9 =	sshra.s32 s9, $0x2  }
0x24: {  	[tilespmem:s9+$0x1B580] =	vst v0  }
0x25: {  	s8 =	simm.s32 $0x0;
	[bflag:$0x0] =	sbarrier.arrive $0xFFFF  }
.LBB2_4:
0x26: {  	s9 =	rddreg [dreg:$0x4]  }
0x27: {  	s9 =	sadd.s32 s8, s9  }
0x28: {  	[tilespmem:s4], [sflag:$0x1] =	stream.linear.gather [hbm4b:s9+s4], $0x100, $0x38;
	[tilespmem:$0x1DD00] =	vst v63  }
0x29: {  	s6 =	sadd.s32 $0x20, s9  }
0x2a: {  	[tilespmem:s12], [sflag:$0x2] =	stream.linear.gather [hbm4b:s6+s4], $0x100, $0x38;
	[tilespmem:$0x1DD00] =	vst v63  }
0x2b: {  	s6 =	sadd.s32 $0x40, s9  }
0x2c: {  	[tilespmem:s13], [sflag:$0x3] =	stream.linear.gather [hbm4b:s6+s4], $0x100, $0x38;
	[tilespmem:$0x1DD00] =	vst v63  }
0x2d: {  	s6 =	sadd.s32 $0x60, s9  }
0x2e: {  	[tilespmem:s14], [sflag:$0x4] =	stream.linear.gather [hbm4b:s6+s4], $0x100, $0x38;
	[tilespmem:$0x1DD00] =	vst v63  }
0x2f: {  	s9 =	sadd.s32 $0x80, s9  }
0x30: {  	[tilespmem:s15], [sflag:$0x5] =	stream.linear.gather [hbm4b:s9+s4], $0x100, $0x38;
	[tilespmem:$0x1DD00] =	vst v63  }
0x31: {  	_ =	swait.ge [sflag:s16], $0x100  }
0x32: {  	[sflag:s16] =	ssyncset.done $0x0  }
0x33: {  	[sflag:s16] =	ssyncadd.s32 $0xFFFFFF00  }
0x34: {  	[tilespmem:s18], [sflag:$0x6] =	stream.indirect.gather [hbm4b:s1+s17], $0x80, s4, s17, $0xb8;
	[tilespmem:$0x1DD00] =	vst v63  }
0x35: {  	_ =	swait.ge [sflag:s19], $0x100  }
0x36: {  	[sflag:s19] =	ssyncset.done $0x0  }
0x37: {  	[sflag:s19] =	ssyncadd.s32 $0xFFFFFF00  }
0x38: {  	[tilespmem:s20], [sflag:$0x7] =	stream.indirect.gather [hbm4b:s1+s17], $0x80, s12, s17, $0xb8;
	[tilespmem:$0x1DD00] =	vst v63  }
0x39: {  	_ =	swait.ge [sflag:s21], $0x100  }
0x3a: {  	[sflag:s21] =	ssyncset.done $0x0  }
0x3b: {  	[sflag:s21] =	ssyncadd.s32 $0xFFFFFF00  }
0x3c: {  	[tilespmem:s22], [sflag:$0x8] =	stream.indirect.gather [hbm4b:s1+s17], $0x80, s13, s17, $0xb8;
	[tilespmem:$0x1DD00] =	vst v63  }
0x3d: {  	_ =	swait.ge [sflag:s23], $0x2800  }
0x3e: {  	[sflag:s23] =	ssyncset.done $0x0  }
0x3f: {  	[sflag:s23] =	ssyncadd.s32 $0xFFFFD800  }
0x40: {  	[spmem:s2] =	stream.indirect.scatter.add.f32 [tilespmem:s18], [sflag:$0x9], $0x80, s24, s17, $0xb8;
	[tilespmem:$0x1DD00] =	vst v63  }
0x41: {  	v2 =	vld [tilespmem:$0x80];
	_ =	sdelay $0x7  }
0x42: {  	[tilespmem:v2+s25+$0x0] =	vst.idx.add.f32.msk $0xffff, v1  }
0x43: {  	v2 =	vld [tilespmem:$0x90];
	_ =	sdelay $0x7  }
0x44: {  	[tilespmem:v2+s25+$0x0] =	vst.idx.add.f32.msk $0xffff, v1  }
0x45: {  	v2 =	vld [tilespmem:$0xA0];
	_ =	sdelay $0x7  }
0x46: {  	[tilespmem:v2+s25+$0x0] =	vst.idx.add.f32.msk $0xffff, v1  }
0x47: {  	v2 =	vld [tilespmem:$0xB0];
	_ =	sdelay $0x7  }
0x48: {  	[tilespmem:v2+s25+$0x0] =	vst.idx.add.f32.msk $0xffff, v1  }
0x49: {  	v2 =	vld [tilespmem:$0xC0];
	_ =	sdelay $0x7  }
0x4a: {  	[tilespmem:v2+s25+$0x0] =	vst.idx.add.f32.msk $0xffff, v1  }
0x4b: {  	_ =	swait.ge [sflag:s26], $0x2800  }
0x4c: {  	[sflag:s26] =	ssyncset.done $0x0  }
0x4d: {  	[sflag:s26] =	ssyncadd.s32 $0xFFFFD800  }
0x4e: {  	_ =	swait.ge [sflag:s28], $0x100  }
0x4f: {  	[sflag:s28] =	ssyncset.done $0x0  }
0x50: {  	[sflag:s28] =	ssyncadd.s32 $0xFFFFFF00  }
0x51: {  	[tilespmem:s18], [sflag:$0x6] =	stream.indirect.gather [hbm4b:s1+s17], $0x80, s14, s17, $0xb8;
	[tilespmem:$0x1DD00] =	vst v63  }
0x52: {  	_ =	swait.ge [sflag:s29], $0x2800  }
0x53: {  	[sflag:s29] =	ssyncset.done $0x0  }
0x54: {  	s9 =	rddreg [dreg:$0x5];
	[sflag:s29] =	ssyncadd.s32 $0xFFFFD800  }
0x55: {  	[spmem:s2] =	stream.indirect.scatter.add.f32 [tilespmem:s20], [sflag:$0xA], $0x80, s9, s17, $0xb8;
	[tilespmem:$0x1DD00] =	vst v63  }
0x56: {  	v2 =	vld [tilespmem:$0x180];
	_ =	sdelay $0x7  }
0x57: {  	[tilespmem:v2+s25+$0x0] =	vst.idx.add.f32.msk $0xffff, v1  }
0x58: {  	v2 =	vld [tilespmem:$0x190];
	_ =	sdelay $0x7  }
0x59: {  	[tilespmem:v2+s25+$0x0] =	vst.idx.add.f32.msk $0xffff, v1  }
0x5a: {  	v2 =	vld [tilespmem:$0x1A0];
	_ =	sdelay $0x7  }
0x5b: {  	[tilespmem:v2+s25+$0x0] =	vst.idx.add.f32.msk $0xffff, v1  }
0x5c: {  	v2 =	vld [tilespmem:$0x1B0];
	_ =	sdelay $0x7  }
0x5d: {  	[tilespmem:v2+s25+$0x0] =	vst.idx.add.f32.msk $0xffff, v1  }
0x5e: {  	v2 =	vld [tilespmem:$0x1C0];
	_ =	sdelay $0x7  }
0x5f: {  	[tilespmem:v2+s25+$0x0] =	vst.idx.add.f32.msk $0xffff, v1  }
0x60: {  	_ =	swait.ge [sflag:s30], $0x2800  }
0x61: {  	[sflag:s30] =	ssyncset.done $0x0  }
0x62: {  	[sflag:s30] =	ssyncadd.s32 $0xFFFFD800  }
0x63: {  	_ =	swait.ge [sflag:s31], $0x100  }
0x64: {  	[sflag:s31] =	ssyncset.done $0x0  }
0x65: {  	[sflag:s31] =	ssyncadd.s32 $0xFFFFFF00  }
0x66: {  	[tilespmem:s20], [sflag:$0x7] =	stream.indirect.gather [hbm4b:s1+s17], $0x80, s15, s17, $0xb8;
	[tilespmem:$0x1DD00] =	vst v63  }
0x67: {  	_ =	swait.ge [sflag:s0], $0x2800  }
0x68: {  	[sflag:s0] =	ssyncset.done $0x0  }
0x69: {  	s9 =	rddreg [dreg:$0x6];
	[sflag:s0] =	ssyncadd.s32 $0xFFFFD800  }
0x6a: {  	[spmem:s2] =	stream.indirect.scatter.add.f32 [tilespmem:s22], [sflag:$0xB], $0x80, s9, s17, $0xb8;
	[tilespmem:$0x1DD00] =	vst v63  }
0x6b: {  	v2 =	vld [tilespmem:$0x280];
	_ =	sdelay $0x7  }
0x6c: {  	[tilespmem:v2+s25+$0x0] =	vst.idx.add.f32.msk $0xffff, v1  }
0x6d: {  	v2 =	vld [tilespmem:$0x290];
	_ =	sdelay $0x7  }
0x6e: {  	[tilespmem:v2+s25+$0x0] =	vst.idx.add.f32.msk $0xffff, v1  }
0x6f: {  	v2 =	vld [tilespmem:$0x2A0];
	_ =	sdelay $0x7  }
0x70: {  	[tilespmem:v2+s25+$0x0] =	vst.idx.add.f32.msk $0xffff, v1  }
0x71: {  	v2 =	vld [tilespmem:$0x2B0];
	_ =	sdelay $0x7  }
0x72: {  	[tilespmem:v2+s25+$0x0] =	vst.idx.add.f32.msk $0xffff, v1  }
0x73: {  	v2 =	vld [tilespmem:$0x2C0];
	_ =	sdelay $0x7  }
0x74: {  	[tilespmem:v2+s25+$0x0] =	vst.idx.add.f32.msk $0xffff, v1  }
0x75: {  	_ =	swait.ge [sflag:s23], $0x2800  }
0x76: {  	[sflag:s23] =	ssyncset.done $0x0  }
0x77: {  	s9 =	rddreg [dreg:$0x7];
	[sflag:s23] =	ssyncadd.s32 $0xFFFFD800  }
0x78: {  	[spmem:s2] =	stream.indirect.scatter.add.f32 [tilespmem:s18], [sflag:$0x9], $0x80, s9, s17, $0xb8;
	[tilespmem:$0x1DD00] =	vst v63  }
0x79: {  	v2 =	vld [tilespmem:$0x380];
	_ =	sdelay $0x7  }
0x7a: {  	[tilespmem:v2+s25+$0x0] =	vst.idx.add.f32.msk $0xffff, v1  }
0x7b: {  	v2 =	vld [tilespmem:$0x390];
	_ =	sdelay $0x7  }
0x7c: {  	[tilespmem:v2+s25+$0x0] =	vst.idx.add.f32.msk $0xffff, v1  }
0x7d: {  	v2 =	vld [tilespmem:$0x3A0];
	_ =	sdelay $0x7  }
0x7e: {  	[tilespmem:v2+s25+$0x0] =	vst.idx.add.f32.msk $0xffff, v1  }
0x7f: {  	v2 =	vld [tilespmem:$0x3B0];
	_ =	sdelay $0x7  }
0x80: {  	[tilespmem:v2+s25+$0x0] =	vst.idx.add.f32.msk $0xffff, v1  }
0x81: {  	v2 =	vld [tilespmem:$0x3C0];
	_ =	sdelay $0x7  }
0x82: {  	[tilespmem:v2+s25+$0x0] =	vst.idx.add.f32.msk $0xffff, v1  }
0x83: {  	_ =	swait.ge [sflag:s29], $0x2800  }
0x84: {  	[sflag:s29] =	ssyncset.done $0x0  }
0x85: {  	[sflag:s29] =	ssyncadd.s32 $0xFFFFD800  }
0x86: {  	[spmem:s2] =	stream.indirect.scatter.add.f32 [tilespmem:s20], [sflag:$0xA], $0x80, s3, s17, $0xb8;
	[tilespmem:$0x1DD00] =	vst v63  }
0x87: {  	v2 =	vld [tilespmem:$0x480];
	_ =	sdelay $0x7  }
0x88: {  	[tilespmem:v2+s25+$0x0] =	vst.idx.add.f32.msk $0xffff, v1  }
0x89: {  	v2 =	vld [tilespmem:$0x490];
	_ =	sdelay $0x7  }
0x8a: {  	[tilespmem:v2+s25+$0x0] =	vst.idx.add.f32.msk $0xffff, v1  }
0x8b: {  	v2 =	vld [tilespmem:$0x4A0];
	_ =	sdelay $0x7  }
0x8c: {  	[tilespmem:v2+s25+$0x0] =	vst.idx.add.f32.msk $0xffff, v1  }
0x8d: {  	v2 =	vld [tilespmem:$0x4B0];
	_ =	sdelay $0x7  }
0x8e: {  	[tilespmem:v2+s25+$0x0] =	vst.idx.add.f32.msk $0xffff, v1  }
0x8f: {  	v2 =	vld [tilespmem:$0x4C0];
	_ =	sdelay $0x7  }
0x90: {  	[tilespmem:v2+s25+$0x0] =	vst.idx.add.f32.msk $0xffff, v1  }
0x91: {  	_ =	swait.ge [sflag:s5], $0x2800  }
0x92: {  	[sflag:s5] =	ssyncset.done $0x0  }
0x93: {  	[sflag:s5] =	ssyncadd.s32 $0xFFFFD800  }
0x94: {  	p0 =	sne.s32 s8, $0xF00;
	_ =	swait.ge [sflag:s26], $0x2800  }
.Ltmp1:
0x95: {  	[sflag:s26] =	ssyncset.done $0x0;
	(pc) =	sbr.rel @p0 .LBB2_4-.Ltmp1, $4  }
0x96: {  	[sflag:s26] =	ssyncadd.s32 $0xFFFFD800  }
0x97: {  	_ =	swait.ge [sflag:s30], $0x2800  }
0x98: {  	[sflag:s30] =	ssyncset.done $0x0  }
0x99: {  	s8 =	sadd.s32 $0xA0, s8;
	[sflag:s30] =	ssyncadd.s32 $0xFFFFD800  }
0x9a: {  	[bflag:$0x0] =	sbarrier.arrive $0xFFFF  }
0x9b: {  	s6 =	rddreg [dreg:$0x9]  }
0x9c: {  	s9 =	rddreg [dreg:$0xc]  }
0x9d: {  	[hbm:s6], [sflag:s10] =	dma.local [spmem:s9], $0x2800  }
0x9e: {  	_ =	swait.ge [sflag:s11], $0x2800  }
0x9f: {  	[sflag:s11] =	ssyncset.done $0x0  }
0xa0: {  	s8 =	smov.u32 s10;
	s10 =	rddreg [dreg:$0xa];
	[sflag:s11] =	ssyncadd.s32 $0xFFFFD800  }
0xa1: {  	[hbm4b:s10+s24] =	stream.strided.scatter [tilespmem:s25], [sflag:$0xC], $0x2780, s15, s24, $0x38;
	[tilespmem:$0x1DD00] =	vst v63  }
0xa2: {  	_ =	swait.ge [sflag:s11], $0x2780  }
0xa3: {  	s7 =	sadd.s32 $0x1, s7;
	s10 =	rddreg [dreg:$0xb]  }
0xa4: {  	p0 =	sne.s32 s7, s10  }
.Ltmp2:
0xa5: {  	_ = 	snop;
	(pc) =	sbr.rel @p0 .LBB2_1-.Ltmp2, $3  }
0xa6: {  	_ =	sdelay $0x1  }
0xa7: {  	[sflag:s11] =	ssyncset.done $0x0  }
0xa8: {  	[sflag:s11] =	ssyncadd.s32 $0xFFFFD880  }
0xa9: {  	_ =	sfence.sel $0x180000  }
0xaa: {  	[bflag:$0x0] =	sbarrier.arrive $0xFFFF  }
0xab: {  	_ =	strace $0x90000047  }
0xac: {  	s0 =	stileid.u32;
	[bflag:$0x2] =	sbarrier.arrive $0xFFFF  }
0xad: {  	p0 =	sne.s32 s0, $0x0;
	s0 =	rddreg [dreg:$0x3]  }
0xae: {  	s0 =	sadd.s32 @!p0 $0x100000, s0  }
0xaf: {  	[sflag:s0] =	ssyncadd.tile.s32 @!p0 $0x1;
	_ =	shalt  }
.Lfunc_end2:
_tile_overlayer_lowered:
.L_overlay_start_2:
0xb0: {  	(tag) =	ssettag $0x2  }
0xb1: {  	s0 =	rddreg [dreg:$0x0];
	s2 =	stileid.u32  }
0xb2: {  	s1 =	rddreg [dreg:$0x1];
	p0 =	sne.s32 s2, $0x0  }
0xb3: {  	s3 =	rddreg [dreg:$0x2];
	[bflag:$0x3] =	sbarrier.arrive $0xFFFF;
	s2 =	simm.s32 @!p0 $0x1C0C  }
0xb4: {  	[timem:s3], [sflag:s2] =	dma.local @!p0 [hbm:s0], s1  }
0xb5: {  	s0 =	simm.s32 @!p0 $0xC  }
0xb6: {  	_ =	swait.ge @!p0 [sflag:s0], s1  }
0xb7: {  	s1 =	ssub.s32 @!p0 $0x0, s1;
	[sflag:s0] =	ssyncset.done @!p0 $0x0  }
0xb8: {  	[sflag:s0] =	ssyncadd.s32 @!p0 s1  }
0xb9: {  	[bflag:$0x3] =	sbarrier.arrive $0xFFFF  }
0xba: {  	_ =	shalt  }

</sc_bundles>
